<compile_context>
chip_gen: v7x
topology: tpu7x:2x2x1
jax: 0.10.2.dev20260603
libtpu: 0.0.44.dev20260713+nightly
codegen_flags: <defaults>
</compile_context>

<pallas_src>
import functools

import jax
import jax.numpy as jnp
from jax import lax
from jax.experimental import pallas as pl
from jax.experimental.pallas import tpu as pltpu
from jax.experimental.pallas import tpu_sc as plsc

N_TOKENS = 32768
D = 768
H = 256
NE = 3

NC = 2
NS = 16
NW = NC * NS
LANES = 16
CHUNK = N_TOKENS // NW
PART_W = 6 * LANES

BLK_A = 4096
BLK_C = 4096


def _logits_body(q_ref, wg_ref, bg_ref, lg_ref):
    lgt = lax.dot_general(wg_ref[...], q_ref[...], (((0,), (1,)), ((), ())),
                          preferred_element_type=jnp.float32)
    lgt = lgt + bg_ref[...]
    lgt8 = jnp.concatenate([lgt, jnp.zeros((8 - NE, BLK_A), jnp.float32)], 0)
    lg_ref[...] = jnp.transpose(lgt8.reshape(8, BLK_A // 128, 128), (1, 0, 2))


def _logits_call(query, Wg, bg2):
    nblk = N_TOKENS // BLK_A
    return pl.pallas_call(
        _logits_body,
        grid=(nblk,),
        in_specs=[
            pl.BlockSpec((BLK_A, D), lambda i: (i, 0)),
            pl.BlockSpec((D, NE), lambda i: (0, 0)),
            pl.BlockSpec((NE, 1), lambda i: (0, 0)),
        ],
        out_specs=pl.BlockSpec((BLK_A // 128, 8, 128), lambda i: (i, 0, 0)),
        out_shape=jax.ShapeDtypeStruct((N_TOKENS // 128, 8, 128), jnp.float32),
    )(query, Wg, bg2)


SLAB = CHUNK * 8


def _gate_body(lg_hbm, sw_hbm, swd_hbm, part_hbm, lv, wv, wd, pv):
    wid = lax.axis_index("s") * NC + lax.axis_index("c")
    base = wid * CHUNK
    pltpu.sync_copy(lg_hbm.at[pl.ds(wid * SLAB, SLAB)], lv)

    fzero = jnp.zeros((LANES,), jnp.float32)
    fone = jnp.full((LANES,), 1.0, jnp.float32)

    def step(j, acc):
        i0, i1, i2, c0, c1, c2 = acc
        off = j * LANES
        ta = 1024 * (j // 8) + LANES * (j % 8)
        l0 = lv[pl.ds(ta, LANES)]
        l1 = lv[pl.ds(ta + 128, LANES)]
        l2 = lv[pl.ds(ta + 256, LANES)]

        j2 = (l2 <= l0) & (l2 <= l1)
        j1 = (~j2) & (l1 <= l0)
        j0 = ~(j2 | j1)

        m = jnp.maximum(l0, jnp.maximum(l1, l2))
        e0 = jnp.exp(l0 - m)
        e1 = jnp.exp(l1 - m)
        e2 = jnp.exp(l2 - m)
        rt = fone / (e0 + e1 + e2)

        z0 = jnp.where(j0, fzero, e0)
        z1 = jnp.where(j1, fzero, e1)
        z2 = jnp.where(j2, fzero, e2)
        rs = fone / (z0 + z1 + z2)
        w0 = z0 * rs
        w1 = z1 * rs
        w2 = z2 * rs
        wv[pl.ds(ta, LANES)] = w0
        wv[pl.ds(ta + 128, LANES)] = w1
        wv[pl.ds(ta + 256, LANES)] = w2
        wd[pl.ds(off, LANES)] = w0
        wd[pl.ds(CHUNK + off, LANES)] = w1
        wd[pl.ds(2 * CHUNK + off, LANES)] = w2

        return (i0 + e0 * rt, i1 + e1 * rt, i2 + e2 * rt,
                c0 + jnp.where(j0, fzero, fone),
                c1 + jnp.where(j1, fzero, fone),
                c2 + jnp.where(j2, fzero, fone))

    init = (fzero, fzero, fzero, fzero, fzero, fzero)
    acc = lax.fori_loop(0, CHUNK // LANES, step, init)
    for k in range(6):
        pv[pl.ds(k * LANES, LANES)] = acc[k]

    pltpu.sync_copy(wv, sw_hbm.at[pl.ds(wid * SLAB, SLAB)])
    for e in range(NE):
        pltpu.sync_copy(wd.at[pl.ds(e * CHUNK, CHUNK)],
                        swd_hbm.at[pl.ds(e * N_TOKENS + base, CHUNK)])
    pltpu.sync_copy(pv, part_hbm.at[wid])


def _gate_call(lgq_flat):
    mesh = plsc.VectorSubcoreMesh(
        core_axis_name="c", subcore_axis_name="s",
        num_cores=NC, num_subcores=NS)
    f = pl.kernel(
        _gate_body,
        out_type=[
            jax.ShapeDtypeStruct((N_TOKENS * 8,), jnp.float32),
            jax.ShapeDtypeStruct((NE * N_TOKENS,), jnp.float32),
            jax.ShapeDtypeStruct((NW, PART_W), jnp.float32),
        ],
        mesh=mesh,
        scratch_types=[
            pltpu.VMEM((SLAB,), jnp.float32),
            pltpu.VMEM((SLAB,), jnp.float32),
            pltpu.VMEM((NE * CHUNK,), jnp.float32),
            pltpu.VMEM((PART_W,), jnp.float32),
        ],
        compiler_params=pltpu.CompilerParams(needs_layout_passes=False),
    )
    return f(lgq_flat)


def _head_body(nblk, swt_ref, part_ref, bn_ref, ws_ref, bs_ref, wc_ref, bc_ref,
               w1_ref, b1_ref, gamma_ref, beta_ref, w2_ref, b2_ref,
               out_ref, loss_ref, e1_ref):
    i = pl.program_id(0)

    @pl.when(i == 0)
    def _prep():
        neural = bn_ref[...][None, :]
        symbolic = (0.5 * ws_ref[...] + bs_ref[...])[None, :]
        categorical = (0.5 * wc_ref[...] + bc_ref[...])[None, :]
        experts = jnp.concatenate([neural, symbolic, categorical], axis=0)
        e1_ref[...] = jnp.dot(experts, w1_ref[...],
                              preferred_element_type=jnp.float32)

        p = part_ref[...]
        inv_b = 1.0 / N_TOKENS
        loss = 0.0
        for e in range(NE):
            imp = jnp.sum(p[:, e * LANES:(e + 1) * LANES])
            cnt = jnp.sum(p[:, (NE + e) * LANES:(NE + e + 1) * LANES])
            loss += (imp * inv_b) * (cnt * inv_b)
        loss_ref[0] = NE * loss

    r3 = swt_ref[...][:, 0:NE, :]
    swt = jnp.transpose(r3, (1, 0, 2)).reshape(NE, BLK_C)
    hpre = lax.dot_general(swt, e1_ref[...], (((0,), (0,)), ((), ())),
                           preferred_element_type=jnp.float32)
    hpre = hpre + b1_ref[...][None, :]

    g = 0.5 * hpre * (1.0 + lax.erf(hpre * 0.7071067811865476))

    mu = jnp.mean(g, axis=1, keepdims=True)
    var = jnp.mean((g - mu) * (g - mu), axis=1, keepdims=True)
    hn = (g - mu) * lax.rsqrt(var + 1e-5)
    hn = hn * gamma_ref[...][None, :] + beta_ref[...][None, :]

    out = jnp.dot(hn.astype(jnp.bfloat16), w2_ref[...],
                  preferred_element_type=jnp.float32)
    out_ref[...] = out + b2_ref[...][None, :]


def _head_call(swt, part, bn, ws, bs, wc, bc, W1, b1, gamma, beta, W2, b2):
    nblk = N_TOKENS // BLK_C
    full = lambda shape: pl.BlockSpec(shape, lambda i: tuple(0 for _ in shape))
    return pl.pallas_call(
        functools.partial(_head_body, nblk),
        grid=(nblk,),
        in_specs=[
            pl.BlockSpec((BLK_C // 128, 8, 128), lambda i: (i, 0, 0)),
            full((NW, PART_W)), full((D,)), full((D,)), full((D,)),
            full((D,)), full((D,)), full((D, H)), full((H,)), full((H,)),
            full((H,)), full((H, D)), full((D,)),
        ],
        out_specs=[
            pl.BlockSpec((BLK_C, D), lambda i: (i, 0)),
            pl.BlockSpec(memory_space=pltpu.SMEM),
        ],
        out_shape=[
            jax.ShapeDtypeStruct((N_TOKENS, D), jnp.float32),
            jax.ShapeDtypeStruct((1,), jnp.float32),
        ],
        scratch_shapes=[pltpu.VMEM((NE, H), jnp.float32)],
    )(swt, part, bn, ws, bs, wc, bc, W1, b1, gamma, beta,
      W2.astype(jnp.bfloat16), b2)


def kernel(query, Wg, bg, Wn, bn, ws, bs, wc, bc, W1, b1, gamma, beta, W2, b2):
    lgq = _logits_call(query, Wg, bg.reshape(NE, 1))
    swq_flat, swd_flat, part = _gate_call(lgq.reshape(-1))
    swq = swq_flat.reshape(N_TOKENS // 128, 8, 128)
    out, loss = _head_call(swq, part, bn, ws, bs, wc, bc,
                           W1, b1, gamma, beta, W2, b2)
    return out, swd_flat.reshape(NE, N_TOKENS).T, loss[0]

# --- scband reference (transcript-rebuilt; emitter-appended) ---
"""Pipeline reference for scband-mo-ethree-world-router-36756330120043 (READ-ONLY COPY).

The authoritative reference and input builder live on the scoring server;
editing this copy changes nothing except your own understanding.
"""

import jax, jax.numpy as jnp
import numpy as np

INPUT_DIM = 768
HIDDEN_DIM = 256
EMB_DIM = 768
NUM_WORLDS = 3
TOP_K = 2
N_TOKENS = 32768


def setup_inputs(seed: int = 0) -> dict:
    key = jax.random.key(seed)
    ks = jax.random.split(key, 8)
    d, h = INPUT_DIM, HIDDEN_DIM

    def s(i, shape, scale=0.02):
        return jax.random.normal(ks[i], shape, dtype=jnp.float32) * scale

    return {
        "query": jax.random.normal(ks[0], (N_TOKENS, d), dtype=jnp.float32),
        "Wg": s(1, (d, NUM_WORLDS)),
        "bg": jnp.zeros((NUM_WORLDS,), jnp.float32),
        "Wn": s(2, (EMB_DIM, d)),
        "bn": jnp.zeros((d,), jnp.float32),
        "ws": s(3, (d,)),
        "bs": jnp.zeros((d,), jnp.float32),
        "wc": s(4, (d,)),
        "bc": jnp.zeros((d,), jnp.float32),
        "W1": s(5, (d, h)),
        "b1": jnp.zeros((h,), jnp.float32),
        "gamma": jnp.ones((h,), jnp.float32),
        "beta": jnp.zeros((h,), jnp.float32),
        "W2": s(6, (h, d)),
        "b2": jnp.zeros((d,), jnp.float32),
    }


def _gelu(x):
    return jax.nn.gelu(x, approximate=False)


def _layernorm(x, gamma, beta, eps=1e-5):
    mu = jnp.mean(x, axis=-1, keepdims=True)
    var = jnp.var(x, axis=-1, keepdims=True)
    return (x - mu) / jnp.sqrt(var + eps) * gamma + beta


def _forward(query, Wg, bg, Wn, bn, ws, bs, wc, bc, W1, b1, gamma, beta, W2, b2):
    B = query.shape[0]
    # GatingNetwork: noisy top-k gate (noise disabled for determinism / eval mode)
    logits = query @ Wg + bg  # [B, 3]
    probs = jax.nn.softmax(logits, axis=-1)
    top_vals, top_idx = jax.lax.top_k(logits, TOP_K)
    top_w = jax.nn.softmax(top_vals, axis=-1)
    rows = jnp.arange(B)[:, None]
    sparse_weights = jnp.zeros((B, NUM_WORLDS), query.dtype).at[rows, top_idx].set(top_w)
    # Load-balancing loss: num_experts * sum(importance * load)
    importance = probs.mean(axis=0)
    load = jax.nn.one_hot(top_idx, NUM_WORLDS).sum(axis=1).mean(axis=0)
    load_loss = NUM_WORLDS * jnp.sum(importance * load)
    # Expert (world) outputs: each is a constant vector expanded over batch
    # neural: pooled = zeros(emb_dim); proj -> effectively bias
    neural = jnp.zeros((EMB_DIM,), query.dtype) @ Wn + bn
    symbolic = 0.5 * ws + bs      # Linear(1, d) applied to score 0.5
    categorical = 0.5 * wc + bc   # Linear(1, d) applied to truth 0.5
    experts = jnp.stack([neural, symbolic, categorical], axis=0)  # [3, d]
    combined = sparse_weights @ experts  # [B, d]
    # output_head: Linear -> GELU -> LayerNorm -> Linear
    hdn = _gelu(combined @ W1 + b1)
    hdn = _layernorm(hdn, gamma, beta)
    out = hdn @ W2 + b2
    return out, sparse_weights, load_loss


def reference(query, Wg, bg, Wn, bn, ws, bs, wc, bc, W1, b1, gamma, beta, W2, b2):
    return _forward(query, Wg, bg, Wn, bn, ws, bs, wc, bc, W1, b1, gamma, beta, W2, b2)

if __name__ == "__main__":
    import jax
    _d = setup_inputs()
    print(jax.jit(kernel)(*tuple(_d.values())))

</pallas_src>

<mosaic_0001>
#map = affine_map<(d0, d1) -> (0)>
#map1 = affine_map<(d0, d1) -> (0, 0)>
module attributes {stable_mosaic.version = 14 : i64} {
  func.func @_gate_body(%arg0: i32, %arg1: i32, %arg2: memref<262144xf32, #tpu.memory_space<hbm>>, %arg3: memref<262144xf32, #tpu.memory_space<hbm>>, %arg4: memref<98304xf32, #tpu.memory_space<hbm>>, %arg5: memref<32x96xf32, #tpu.memory_space<hbm>>, %arg6: memref<8192xf32, #tpu.memory_space<vmem>>, %arg7: memref<8192xf32, #tpu.memory_space<vmem>>, %arg8: memref<3072xf32, #tpu.memory_space<vmem>>, %arg9: memref<96xf32, #tpu.memory_space<vmem>>) attributes {dimension_semantics = [#tpu.dimension_semantics<core_parallel>, #tpu.dimension_semantics<subcore_parallel>], iteration_bounds = array<i64: 2, 16>, scalar_prefetch = 0 : i64, scratch_operands = 4 : i64, tpu.core_type = #tpu.core_type<sc_vector_subcore>, window_params = [{transform_indices = #map}, {transform_indices = #map}, {transform_indices = #map}, {transform_indices = #map1}]} {
    %mul3A = arith.constant 2 : i32
    %mul3A_0 = arith.muli %arg1, %mul3A : i32
    %add3A = arith.addi %mul3A_0, %arg0 : i32
    %mul3A_1 = arith.constant 1024 : i32
    %mul3A_2 = arith.muli %add3A, %mul3A_1 : i32
    %mul3A_3 = arith.constant 8192 : i32
    %mul3A_4 = arith.muli %add3A, %mul3A_3 : i32
    "tpu.region"() ({
      %run_scoped3A = tpu.sem_alloc : memref<!tpu.dma_semaphore, #tpu.memory_space<semaphore_mem>>
      %dma_start3A = tpu.memref_slice %arg2[%mul3A_4] : memref<262144xf32, #tpu.memory_space<hbm>> -> memref<8192xf32, #tpu.memory_space<hbm>>
      %dma_start3A_32 = tpu.memref_slice %arg2[%mul3A_4] : memref<262144xf32, #tpu.memory_space<hbm>> -> memref<8192xf32, #tpu.memory_space<hbm>>
      tpu.enqueue_dma source(%dma_start3A_32 : memref<8192xf32, #tpu.memory_space<hbm>>) target(%arg6 : memref<8192xf32, #tpu.memory_space<vmem>>) target_semaphore(%run_scoped3A : memref<!tpu.dma_semaphore, #tpu.memory_space<semaphore_mem>>)
      %dma_wait3A = tpu.memref_slice %arg2[%mul3A_4] : memref<262144xf32, #tpu.memory_space<hbm>> -> memref<8192xf32, #tpu.memory_space<hbm>>
      %dma_wait3A_33 = tpu.memref_slice %arg2[%mul3A_4] : memref<262144xf32, #tpu.memory_space<hbm>> -> memref<8192xf32, #tpu.memory_space<hbm>>
      tpu.wait_dma2 semaphore(%run_scoped3A : memref<!tpu.dma_semaphore, #tpu.memory_space<semaphore_mem>>) src(%dma_wait3A_33 : memref<8192xf32, #tpu.memory_space<hbm>>) dst(%arg6 : memref<8192xf32, #tpu.memory_space<vmem>>)
      tpu.yield
    }) : () -> ()
    %broadcast_in_dim3A = arith.constant 0.000000e+00 : f32
    %broadcast_in_dim3A_5 = vector.broadcast %broadcast_in_dim3A : f32 to vector<16xf32>
    %broadcast_in_dim3A_6 = arith.constant 1.000000e+00 : f32
    %broadcast_in_dim3A_7 = vector.broadcast %broadcast_in_dim3A_6 : f32 to vector<16xf32>
    %scan3A = arith.constant 0 : i32
    %scan3A_8 = arith.constant 64 : i32
    %scan3A_9 = arith.addi %scan3A, %scan3A_8 : i32
    %scan3A_10 = arith.constant 1 : i32
    %scan3A_11:6 = scf.for %scan3A_32 = %scan3A to %scan3A_9 step %scan3A_10 iter_args(%scan3A_33 = %broadcast_in_dim3A_5, %scan3A_34 = %broadcast_in_dim3A_5, %scan3A_35 = %broadcast_in_dim3A_5, %scan3A_36 = %broadcast_in_dim3A_5, %scan3A_37 = %broadcast_in_dim3A_5, %scan3A_38 = %broadcast_in_dim3A_5) -> (vector<16xf32>, vector<16xf32>, vector<16xf32>, vector<16xf32>, vector<16xf32>, vector<16xf32>)  : i32 {
      %mul3A_39 = arith.constant 16 : i32
      %mul3A_40 = arith.muli %scan3A_32, %mul3A_39 : i32
      %jit3A = arith.constant 8 : i32
      %div3A = arith.divsi %scan3A_32, %jit3A : i32
      %sign3A = arith.constant 0 : i32
      %sign3A_41 = arith.cmpi sgt, %scan3A_32, %sign3A : i32
      %sign3A_42 = arith.extui %sign3A_41 : i1 to i32
      %sign3A_43 = arith.constant 0 : i32
      %sign3A_44 = arith.cmpi slt, %scan3A_32, %sign3A_43 : i32
      %sign3A_45 = arith.extui %sign3A_44 : i1 to i32
      %sign3A_46 = arith.subi %sign3A_42, %sign3A_45 : i32
      %sign3A_47 = arith.constant 0 : i32
      %sign3A_48 = arith.cmpi sgt, %jit3A, %sign3A_47 : i32
      %sign3A_49 = arith.extui %sign3A_48 : i1 to i32
      %sign3A_50 = arith.constant 0 : i32
      %sign3A_51 = arith.cmpi slt, %jit3A, %sign3A_50 : i32
      %sign3A_52 = arith.extui %sign3A_51 : i1 to i32
      %sign3A_53 = arith.subi %sign3A_49, %sign3A_52 : i32
      %ne3A = arith.cmpi ne, %sign3A_46, %sign3A_53 : i32
      %rem3A = arith.remsi %scan3A_32, %jit3A : i32
      %ne3A_54 = arith.constant 0 : i32
      %ne3A_55 = arith.cmpi ne, %rem3A, %ne3A_54 : i32
      %and3A = arith.andi %ne3A, %ne3A_55 : i1
      %sub3A = arith.constant 1 : i32
      %sub3A_56 = arith.subi %div3A, %sub3A : i32
      %select_n3A = arith.select %and3A, %sub3A_56, %div3A : i32
      %mul3A_57 = arith.constant 1024 : i32
      %mul3A_58 = arith.muli %mul3A_57, %select_n3A : i32
      %jit3A_59 = arith.constant 8 : i32
      %eq3A = arith.constant 0 : i32
      %eq3A_60 = arith.cmpi eq, %jit3A_59, %eq3A : i32
      %jit3A_61 = arith.constant 1 : i32
      %select_n3A_62 = arith.select %eq3A_60, %jit3A_61, %jit3A_59 : i32
      %rem3A_63 = arith.remsi %scan3A_32, %select_n3A_62 : i32
      %ne3A_64 = arith.constant 0 : i32
      %ne3A_65 = arith.cmpi ne, %rem3A_63, %ne3A_64 : i32
      %lt3A = arith.constant 0 : i32
      %lt3A_66 = arith.cmpi slt, %rem3A_63, %lt3A : i32
      %lt3A_67 = arith.constant 0 : i32
      %lt3A_68 = arith.cmpi slt, %select_n3A_62, %lt3A_67 : i32
      %ne3A_69 = arith.xori %lt3A_66, %lt3A_68 : i1
      %and3A_70 = arith.andi %ne3A_69, %ne3A_65 : i1
      %add3A_71 = arith.addi %rem3A_63, %select_n3A_62 : i32
      %select_n3A_72 = arith.select %and3A_70, %add3A_71, %rem3A_63 : i32
      %mul3A_73 = arith.constant 16 : i32
      %mul3A_74 = arith.muli %mul3A_73, %select_n3A_72 : i32
      %add3A_75 = arith.addi %mul3A_58, %mul3A_74 : i32
      %get3A = arith.index_cast %add3A_75 : i32 to index
      %get3A_76 = tpu.vector_load %arg6[%get3A] {strides = array<i32>} : memref<8192xf32, #tpu.memory_space<vmem>>, vector<16xf32>,
      %add3A_77 = arith.constant 128 : i32
      %add3A_78 = arith.addi %add3A_75, %add3A_77 : i32
      %get3A_79 = arith.index_cast %add3A_78 : i32 to index
      %get3A_80 = tpu.vector_load %arg6[%get3A_79] {strides = array<i32>} : memref<8192xf32, #tpu.memory_space<vmem>>, vector<16xf32>,
      %add3A_81 = arith.constant 256 : i32
      %add3A_82 = arith.addi %add3A_75, %add3A_81 : i32
      %get3A_83 = arith.index_cast %add3A_82 : i32 to index
      %get3A_84 = tpu.vector_load %arg6[%get3A_83] {strides = array<i32>} : memref<8192xf32, #tpu.memory_space<vmem>>, vector<16xf32>,
      %le3A = arith.cmpf ole, %get3A_84, %get3A_76 : vector<16xf32>
      %le3A_85 = arith.cmpf ole, %get3A_84, %get3A_80 : vector<16xf32>
      %and3A_86 = arith.andi %le3A, %le3A_85 : vector<16xi1>
      %not3A = arith.constant dense<true> : vector<16xi1>
      %not3A_87 = arith.xori %and3A_86, %not3A : vector<16xi1>
      %le3A_88 = arith.cmpf ole, %get3A_80, %get3A_76 : vector<16xf32>
      %and3A_89 = arith.andi %not3A_87, %le3A_88 : vector<16xi1>
      %or3A = arith.ori %and3A_86, %and3A_89 : vector<16xi1>
      %not3A_90 = arith.constant dense<true> : vector<16xi1>
      %not3A_91 = arith.xori %or3A, %not3A_90 : vector<16xi1>
      %max3A = arith.maximumf %get3A_80, %get3A_84 : vector<16xf32>
      %max3A_92 = arith.maximumf %get3A_76, %max3A : vector<16xf32>
      %sub3A_93 = arith.subf %get3A_76, %max3A_92 : vector<16xf32>
      %exp3A = math.exp %sub3A_93 : vector<16xf32>
      %sub3A_94 = arith.subf %get3A_80, %max3A_92 : vector<16xf32>
      %exp3A_95 = math.exp %sub3A_94 : vector<16xf32>
      %sub3A_96 = arith.subf %get3A_84, %max3A_92 : vector<16xf32>
      %exp3A_97 = math.exp %sub3A_96 : vector<16xf32>
      %add3A_98 = arith.addf %exp3A, %exp3A_95 : vector<16xf32>
      %add3A_99 = arith.addf %add3A_98, %exp3A_97 : vector<16xf32>
      %div3A_100 = arith.divf %broadcast_in_dim3A_7, %add3A_99 : vector<16xf32>
      %select_n3A_101 = arith.select %not3A_91, %broadcast_in_dim3A_5, %exp3A : vector<16xi1>, vector<16xf32>
      %select_n3A_102 = arith.select %and3A_89, %broadcast_in_dim3A_5, %exp3A_95 : vector<16xi1>, vector<16xf32>
      %select_n3A_103 = arith.select %and3A_86, %broadcast_in_dim3A_5, %exp3A_97 : vector<16xi1>, vector<16xf32>
      %add3A_104 = arith.addf %select_n3A_101, %select_n3A_102 : vector<16xf32>
      %add3A_105 = arith.addf %add3A_104, %select_n3A_103 : vector<16xf32>
      %div3A_106 = arith.divf %broadcast_in_dim3A_7, %add3A_105 : vector<16xf32>
      %mul3A_107 = arith.mulf %select_n3A_101, %div3A_106 : vector<16xf32>
      %mul3A_108 = arith.mulf %select_n3A_102, %div3A_106 : vector<16xf32>
      %mul3A_109 = arith.mulf %select_n3A_103, %div3A_106 : vector<16xf32>
      %swap3A_110 = arith.index_cast %add3A_75 : i32 to index
      %swap3A_111 = tpu.vector_load %arg7[%swap3A_110] {strides = array<i32>} : memref<8192xf32, #tpu.memory_space<vmem>>, vector<16xf32>,
      tpu.vector_store %arg7[%swap3A_110], %mul3A_107 {strides = array<i32>} : memref<8192xf32, #tpu.memory_space<vmem>>, vector<16xf32>,
      %add3A_112 = arith.constant 128 : i32
      %add3A_113 = arith.addi %add3A_75, %add3A_112 : i32
      %swap3A_114 = arith.index_cast %add3A_113 : i32 to index
      %swap3A_115 = tpu.vector_load %arg7[%swap3A_114] {strides = array<i32>} : memref<8192xf32, #tpu.memory_space<vmem>>, vector<16xf32>,
      tpu.vector_store %arg7[%swap3A_114], %mul3A_108 {strides = array<i32>} : memref<8192xf32, #tpu.memory_space<vmem>>, vector<16xf32>,
      %add3A_116 = arith.constant 256 : i32
      %add3A_117 = arith.addi %add3A_75, %add3A_116 : i32
      %swap3A_118 = arith.index_cast %add3A_117 : i32 to index
      %swap3A_119 = tpu.vector_load %arg7[%swap3A_118] {strides = array<i32>} : memref<8192xf32, #tpu.memory_space<vmem>>, vector<16xf32>,
      tpu.vector_store %arg7[%swap3A_118], %mul3A_109 {strides = array<i32>} : memref<8192xf32, #tpu.memory_space<vmem>>, vector<16xf32>,
      %swap3A_120 = arith.index_cast %mul3A_40 : i32 to index
      %swap3A_121 = tpu.vector_load %arg8[%swap3A_120] {strides = array<i32>} : memref<3072xf32, #tpu.memory_space<vmem>>, vector<16xf32>,
      tpu.vector_store %arg8[%swap3A_120], %mul3A_107 {strides = array<i32>} : memref<3072xf32, #tpu.memory_space<vmem>>, vector<16xf32>,
      %add3A_122 = arith.constant 1024 : i32
      %add3A_123 = arith.addi %add3A_122, %mul3A_40 : i32
      %swap3A_124 = arith.index_cast %add3A_123 : i32 to index
      %swap3A_125 = tpu.vector_load %arg8[%swap3A_124] {strides = array<i32>} : memref<3072xf32, #tpu.memory_space<vmem>>, vector<16xf32>,
      tpu.vector_store %arg8[%swap3A_124], %mul3A_108 {strides = array<i32>} : memref<3072xf32, #tpu.memory_space<vmem>>, vector<16xf32>,
      %add3A_126 = arith.constant 2048 : i32
      %add3A_127 = arith.addi %add3A_126, %mul3A_40 : i32
      %swap3A_128 = arith.index_cast %add3A_127 : i32 to index
      %swap3A_129 = tpu.vector_load %arg8[%swap3A_128] {strides = array<i32>} : memref<3072xf32, #tpu.memory_space<vmem>>, vector<16xf32>,
      tpu.vector_store %arg8[%swap3A_128], %mul3A_109 {strides = array<i32>} : memref<3072xf32, #tpu.memory_space<vmem>>, vector<16xf32>,
      %mul3A_130 = arith.mulf %exp3A, %div3A_100 : vector<16xf32>
      %add3A_131 = arith.addf %scan3A_33, %mul3A_130 : vector<16xf32>
      %mul3A_132 = arith.mulf %exp3A_95, %div3A_100 : vector<16xf32>
      %add3A_133 = arith.addf %scan3A_34, %mul3A_132 : vector<16xf32>
      %mul3A_134 = arith.mulf %exp3A_97, %div3A_100 : vector<16xf32>
      %add3A_135 = arith.addf %scan3A_35, %mul3A_134 : vector<16xf32>
      %select_n3A_136 = arith.select %not3A_91, %broadcast_in_dim3A_5, %broadcast_in_dim3A_7 : vector<16xi1>, vector<16xf32>
      %add3A_137 = arith.addf %scan3A_36, %select_n3A_136 : vector<16xf32>
      %select_n3A_138 = arith.select %and3A_89, %broadcast_in_dim3A_5, %broadcast_in_dim3A_7 : vector<16xi1>, vector<16xf32>
      %add3A_139 = arith.addf %scan3A_37, %select_n3A_138 : vector<16xf32>
      %select_n3A_140 = arith.select %and3A_86, %broadcast_in_dim3A_5, %broadcast_in_dim3A_7 : vector<16xi1>, vector<16xf32>
      %add3A_141 = arith.addf %scan3A_38, %select_n3A_140 : vector<16xf32>
      scf.yield %add3A_131, %add3A_133, %add3A_135, %add3A_137, %add3A_139, %add3A_141 : vector<16xf32>, vector<16xf32>, vector<16xf32>, vector<16xf32>, vector<16xf32>, vector<16xf32>
    }
    %scan3A_12 = arith.constant 64 : i32
    %swap3A = arith.constant 0 : index
    %swap3A_13 = tpu.vector_load %arg9[%swap3A] {strides = array<i32>} : memref<96xf32, #tpu.memory_space<vmem>>, vector<16xf32>,
    tpu.vector_store %arg9[%swap3A], %scan3A_11#0 {strides = array<i32>} : memref<96xf32, #tpu.memory_space<vmem>>, vector<16xf32>,
    %swap3A_14 = arith.constant 16 : index
    %swap3A_15 = tpu.vector_load %arg9[%swap3A_14] {strides = array<i32>} : memref<96xf32, #tpu.memory_space<vmem>>, vector<16xf32>,
    tpu.vector_store %arg9[%swap3A_14], %scan3A_11#1 {strides = array<i32>} : memref<96xf32, #tpu.memory_space<vmem>>, vector<16xf32>,
    %swap3A_16 = arith.constant 32 : index
    %swap3A_17 = tpu.vector_load %arg9[%swap3A_16] {strides = array<i32>} : memref<96xf32, #tpu.memory_space<vmem>>, vector<16xf32>,
    tpu.vector_store %arg9[%swap3A_16], %scan3A_11#2 {strides = array<i32>} : memref<96xf32, #tpu.memory_space<vmem>>, vector<16xf32>,
    %swap3A_18 = arith.constant 48 : index
    %swap3A_19 = tpu.vector_load %arg9[%swap3A_18] {strides = array<i32>} : memref<96xf32, #tpu.memory_space<vmem>>, vector<16xf32>,
    tpu.vector_store %arg9[%swap3A_18], %scan3A_11#3 {strides = array<i32>} : memref<96xf32, #tpu.memory_space<vmem>>, vector<16xf32>,
    %swap3A_20 = arith.constant 64 : index
    %swap3A_21 = tpu.vector_load %arg9[%swap3A_20] {strides = array<i32>} : memref<96xf32, #tpu.memory_space<vmem>>, vector<16xf32>,
    tpu.vector_store %arg9[%swap3A_20], %scan3A_11#4 {strides = array<i32>} : memref<96xf32, #tpu.memory_space<vmem>>, vector<16xf32>,
    %swap3A_22 = arith.constant 80 : index
    %swap3A_23 = tpu.vector_load %arg9[%swap3A_22] {strides = array<i32>} : memref<96xf32, #tpu.memory_space<vmem>>, vector<16xf32>,
    tpu.vector_store %arg9[%swap3A_22], %scan3A_11#5 {strides = array<i32>} : memref<96xf32, #tpu.memory_space<vmem>>, vector<16xf32>,
    %mul3A_24 = arith.constant 8192 : i32
    %mul3A_25 = arith.muli %add3A, %mul3A_24 : i32
    "tpu.region"() ({
      %run_scoped3A = tpu.sem_alloc : memref<!tpu.dma_semaphore, #tpu.memory_space<semaphore_mem>>
      %dma_start3A = tpu.memref_slice %arg3[%mul3A_25] : memref<262144xf32, #tpu.memory_space<hbm>> -> memref<8192xf32, #tpu.memory_space<hbm>>
      %dma_start3A_32 = tpu.memref_slice %arg3[%mul3A_25] : memref<262144xf32, #tpu.memory_space<hbm>> -> memref<8192xf32, #tpu.memory_space<hbm>>
      tpu.enqueue_dma source(%arg7 : memref<8192xf32, #tpu.memory_space<vmem>>) target(%dma_start3A_32 : memref<8192xf32, #tpu.memory_space<hbm>>) target_semaphore(%run_scoped3A : memref<!tpu.dma_semaphore, #tpu.memory_space<semaphore_mem>>)
      %dma_wait3A = tpu.memref_slice %arg3[%mul3A_25] : memref<262144xf32, #tpu.memory_space<hbm>> -> memref<8192xf32, #tpu.memory_space<hbm>>
      %dma_wait3A_33 = tpu.memref_slice %arg3[%mul3A_25] : memref<262144xf32, #tpu.memory_space<hbm>> -> memref<8192xf32, #tpu.memory_space<hbm>>
      tpu.wait_dma2 semaphore(%run_scoped3A : memref<!tpu.dma_semaphore, #tpu.memory_space<semaphore_mem>>) src(%arg7 : memref<8192xf32, #tpu.memory_space<vmem>>) dst(%dma_wait3A_33 : memref<8192xf32, #tpu.memory_space<hbm>>)
      tpu.yield
    }) : () -> ()
    %add3A_26 = arith.constant 0 : i32
    %add3A_27 = arith.addi %add3A_26, %mul3A_2 : i32
    "tpu.region"() ({
      %run_scoped3A = tpu.sem_alloc : memref<!tpu.dma_semaphore, #tpu.memory_space<semaphore_mem>>
      %dma_start3A = arith.constant 0 : i32
      %dma_start3A_32 = tpu.memref_slice %arg8[%dma_start3A] : memref<3072xf32, #tpu.memory_space<vmem>> -> memref<1024xf32, #tpu.memory_space<vmem>>
      %dma_start3A_33 = tpu.memref_slice %arg4[%add3A_27] : memref<98304xf32, #tpu.memory_space<hbm>> -> memref<1024xf32, #tpu.memory_space<hbm>>
      %dma_start3A_34 = tpu.memref_slice %arg4[%add3A_27] : memref<98304xf32, #tpu.memory_space<hbm>> -> memref<1024xf32, #tpu.memory_space<hbm>>
      %dma_start3A_35 = arith.constant 0 : i32
      %dma_start3A_36 = tpu.memref_slice %arg8[%dma_start3A_35] : memref<3072xf32, #tpu.memory_space<vmem>> -> memref<1024xf32, #tpu.memory_space<vmem>>
      tpu.enqueue_dma source(%dma_start3A_36 : memref<1024xf32, #tpu.memory_space<vmem>>) target(%dma_start3A_34 : memref<1024xf32, #tpu.memory_space<hbm>>) target_semaphore(%run_scoped3A : memref<!tpu.dma_semaphore, #tpu.memory_space<semaphore_mem>>)
      %dma_wait3A = arith.constant 0 : i32
      %dma_wait3A_37 = tpu.memref_slice %arg8[%dma_wait3A] : memref<3072xf32, #tpu.memory_space<vmem>> -> memref<1024xf32, #tpu.memory_space<vmem>>
      %dma_wait3A_38 = tpu.memref_slice %arg4[%add3A_27] : memref<98304xf32, #tpu.memory_space<hbm>> -> memref<1024xf32, #tpu.memory_space<hbm>>
      %dma_wait3A_39 = tpu.memref_slice %arg4[%add3A_27] : memref<98304xf32, #tpu.memory_space<hbm>> -> memref<1024xf32, #tpu.memory_space<hbm>>
      %dma_wait3A_40 = arith.constant 0 : i32
      %dma_wait3A_41 = tpu.memref_slice %arg8[%dma_wait3A_40] : memref<3072xf32, #tpu.memory_space<vmem>> -> memref<1024xf32, #tpu.memory_space<vmem>>
      tpu.wait_dma2 semaphore(%run_scoped3A : memref<!tpu.dma_semaphore, #tpu.memory_space<semaphore_mem>>) src(%dma_wait3A_41 : memref<1024xf32, #tpu.memory_space<vmem>>) dst(%dma_wait3A_39 : memref<1024xf32, #tpu.memory_space<hbm>>)
      tpu.yield
    }) : () -> ()
    %add3A_28 = arith.constant 32768 : i32
    %add3A_29 = arith.addi %add3A_28, %mul3A_2 : i32
    "tpu.region"() ({
      %run_scoped3A = tpu.sem_alloc : memref<!tpu.dma_semaphore, #tpu.memory_space<semaphore_mem>>
      %dma_start3A = arith.constant 1024 : i32
      %dma_start3A_32 = tpu.memref_slice %arg8[%dma_start3A] : memref<3072xf32, #tpu.memory_space<vmem>> -> memref<1024xf32, #tpu.memory_space<vmem>>
      %dma_start3A_33 = tpu.memref_slice %arg4[%add3A_29] : memref<98304xf32, #tpu.memory_space<hbm>> -> memref<1024xf32, #tpu.memory_space<hbm>>
      %dma_start3A_34 = tpu.memref_slice %arg4[%add3A_29] : memref<98304xf32, #tpu.memory_space<hbm>> -> memref<1024xf32, #tpu.memory_space<hbm>>
      %dma_start3A_35 = arith.constant 1024 : i32
      %dma_start3A_36 = tpu.memref_slice %arg8[%dma_start3A_35] : memref<3072xf32, #tpu.memory_space<vmem>> -> memref<1024xf32, #tpu.memory_space<vmem>>
      tpu.enqueue_dma source(%dma_start3A_36 : memref<1024xf32, #tpu.memory_space<vmem>>) target(%dma_start3A_34 : memref<1024xf32, #tpu.memory_space<hbm>>) target_semaphore(%run_scoped3A : memref<!tpu.dma_semaphore, #tpu.memory_space<semaphore_mem>>)
      %dma_wait3A = arith.constant 1024 : i32
      %dma_wait3A_37 = tpu.memref_slice %arg8[%dma_wait3A] : memref<3072xf32, #tpu.memory_space<vmem>> -> memref<1024xf32, #tpu.memory_space<vmem>>
      %dma_wait3A_38 = tpu.memref_slice %arg4[%add3A_29] : memref<98304xf32, #tpu.memory_space<hbm>> -> memref<1024xf32, #tpu.memory_space<hbm>>
      %dma_wait3A_39 = tpu.memref_slice %arg4[%add3A_29] : memref<98304xf32, #tpu.memory_space<hbm>> -> memref<1024xf32, #tpu.memory_space<hbm>>
      %dma_wait3A_40 = arith.constant 1024 : i32
      %dma_wait3A_41 = tpu.memref_slice %arg8[%dma_wait3A_40] : memref<3072xf32, #tpu.memory_space<vmem>> -> memref<1024xf32, #tpu.memory_space<vmem>>
      tpu.wait_dma2 semaphore(%run_scoped3A : memref<!tpu.dma_semaphore, #tpu.memory_space<semaphore_mem>>) src(%dma_wait3A_41 : memref<1024xf32, #tpu.memory_space<vmem>>) dst(%dma_wait3A_39 : memref<1024xf32, #tpu.memory_space<hbm>>)
      tpu.yield
    }) : () -> ()
    %add3A_30 = arith.constant 65536 : i32
    %add3A_31 = arith.addi %add3A_30, %mul3A_2 : i32
    "tpu.region"() ({
      %run_scoped3A = tpu.sem_alloc : memref<!tpu.dma_semaphore, #tpu.memory_space<semaphore_mem>>
      %dma_start3A = arith.constant 2048 : i32
      %dma_start3A_32 = tpu.memref_slice %arg8[%dma_start3A] : memref<3072xf32, #tpu.memory_space<vmem>> -> memref<1024xf32, #tpu.memory_space<vmem>>
      %dma_start3A_33 = tpu.memref_slice %arg4[%add3A_31] : memref<98304xf32, #tpu.memory_space<hbm>> -> memref<1024xf32, #tpu.memory_space<hbm>>
      %dma_start3A_34 = tpu.memref_slice %arg4[%add3A_31] : memref<98304xf32, #tpu.memory_space<hbm>> -> memref<1024xf32, #tpu.memory_space<hbm>>
      %dma_start3A_35 = arith.constant 2048 : i32
      %dma_start3A_36 = tpu.memref_slice %arg8[%dma_start3A_35] : memref<3072xf32, #tpu.memory_space<vmem>> -> memref<1024xf32, #tpu.memory_space<vmem>>
      tpu.enqueue_dma source(%dma_start3A_36 : memref<1024xf32, #tpu.memory_space<vmem>>) target(%dma_start3A_34 : memref<1024xf32, #tpu.memory_space<hbm>>) target_semaphore(%run_scoped3A : memref<!tpu.dma_semaphore, #tpu.memory_space<semaphore_mem>>)
      %dma_wait3A = arith.constant 2048 : i32
      %dma_wait3A_37 = tpu.memref_slice %arg8[%dma_wait3A] : memref<3072xf32, #tpu.memory_space<vmem>> -> memref<1024xf32, #tpu.memory_space<vmem>>
      %dma_wait3A_38 = tpu.memref_slice %arg4[%add3A_31] : memref<98304xf32, #tpu.memory_space<hbm>> -> memref<1024xf32, #tpu.memory_space<hbm>>
      %dma_wait3A_39 = tpu.memref_slice %arg4[%add3A_31] : memref<98304xf32, #tpu.memory_space<hbm>> -> memref<1024xf32, #tpu.memory_space<hbm>>
      %dma_wait3A_40 = arith.constant 2048 : i32
      %dma_wait3A_41 = tpu.memref_slice %arg8[%dma_wait3A_40] : memref<3072xf32, #tpu.memory_space<vmem>> -> memref<1024xf32, #tpu.memory_space<vmem>>
      tpu.wait_dma2 semaphore(%run_scoped3A : memref<!tpu.dma_semaphore, #tpu.memory_space<semaphore_mem>>) src(%dma_wait3A_41 : memref<1024xf32, #tpu.memory_space<vmem>>) dst(%dma_wait3A_39 : memref<1024xf32, #tpu.memory_space<hbm>>)
      tpu.yield
    }) : () -> ()
    "tpu.region"() ({
      %run_scoped3A = tpu.sem_alloc : memref<!tpu.dma_semaphore, #tpu.memory_space<semaphore_mem>>
      %dma_start3A = arith.constant 0 : i32
      %dma_start3A_32 = tpu.memref_slice %arg5[%add3A, %dma_start3A] : memref<32x96xf32, #tpu.memory_space<hbm>> -> memref<1x96xf32, #tpu.memory_space<hbm>>
      %dma_start3A_33 = tpu.memref_squeeze %dma_start3A_32 : memref<1x96xf32, #tpu.memory_space<hbm>> -> memref<96xf32, #tpu.memory_space<hbm>>
      %dma_start3A_34 = arith.constant 0 : i32
      %dma_start3A_35 = tpu.memref_slice %arg5[%add3A, %dma_start3A_34] : memref<32x96xf32, #tpu.memory_space<hbm>> -> memref<1x96xf32, #tpu.memory_space<hbm>>
      %dma_start3A_36 = tpu.memref_squeeze %dma_start3A_35 : memref<1x96xf32, #tpu.memory_space<hbm>> -> memref<96xf32, #tpu.memory_space<hbm>>
      tpu.enqueue_dma source(%arg9 : memref<96xf32, #tpu.memory_space<vmem>>) target(%dma_start3A_36 : memref<96xf32, #tpu.memory_space<hbm>>) target_semaphore(%run_scoped3A : memref<!tpu.dma_semaphore, #tpu.memory_space<semaphore_mem>>)
      %dma_wait3A = arith.constant 0 : i32
      %dma_wait3A_37 = tpu.memref_slice %arg5[%add3A, %dma_wait3A] : memref<32x96xf32, #tpu.memory_space<hbm>> -> memref<1x96xf32, #tpu.memory_space<hbm>>
      %dma_wait3A_38 = tpu.memref_squeeze %dma_wait3A_37 : memref<1x96xf32, #tpu.memory_space<hbm>> -> memref<96xf32, #tpu.memory_space<hbm>>
      %dma_wait3A_39 = arith.constant 0 : i32
      %dma_wait3A_40 = tpu.memref_slice %arg5[%add3A, %dma_wait3A_39] : memref<32x96xf32, #tpu.memory_space<hbm>> -> memref<1x96xf32, #tpu.memory_space<hbm>>
      %dma_wait3A_41 = tpu.memref_squeeze %dma_wait3A_40 : memref<1x96xf32, #tpu.memory_space<hbm>> -> memref<96xf32, #tpu.memory_space<hbm>>
      tpu.wait_dma2 semaphore(%run_scoped3A : memref<!tpu.dma_semaphore, #tpu.memory_space<semaphore_mem>>) src(%arg9 : memref<96xf32, #tpu.memory_space<vmem>>) dst(%dma_wait3A_41 : memref<96xf32, #tpu.memory_space<hbm>>)
      tpu.yield
    }) : () -> ()
    return
  }
}

module attributes {stable_mosaic.version = 14 : i64} {
  func.func @_head_body(%arg0: i32, %arg1: memref<32x8x128xf32, #tpu.memory_space<vmem>>, %arg2: memref<32x96xf32, #tpu.memory_space<vmem>>, %arg3: memref<768xf32, #tpu.memory_space<vmem>>, %arg4: memref<768xf32, #tpu.memory_space<vmem>>, %arg5: memref<768xf32, #tpu.memory_space<vmem>>, %arg6: memref<768xf32, #tpu.memory_space<vmem>>, %arg7: memref<768xf32, #tpu.memory_space<vmem>>, %arg8: memref<768x256xf32, #tpu.memory_space<vmem>>, %arg9: memref<256xf32, #tpu.memory_space<vmem>>, %arg10: memref<256xf32, #tpu.memory_space<vmem>>, %arg11: memref<256xf32, #tpu.memory_space<vmem>>, %arg12: memref<256x768xbf16, #tpu.memory_space<vmem>>, %arg13: memref<768xf32, #tpu.memory_space<vmem>>, %arg14: memref<4096x768xf32, #tpu.memory_space<vmem>>, %arg15: memref<1xf32, #tpu.memory_space<smem>>, %arg16: memref<3x256xf32, #tpu.memory_space<vmem>>) attributes {dimension_semantics = [#tpu.dimension_semantics<arbitrary>], iteration_bounds = array<i64: 8>, scalar_prefetch = 0 : i64, scratch_operands = 1 : i64, tpu.core_type = #tpu.core_type<tc>, window_params = [{transform_indices = @transform_0, window_bounds = array<i64: 32, 8, 128>}, {pipeline_mode = #tpu.pipeline_mode<synchronous>, transform_indices = @transform_1, window_bounds = array<i64: 32, 96>}, {pipeline_mode = #tpu.pipeline_mode<synchronous>, transform_indices = @transform_2, window_bounds = array<i64: 768>}, {pipeline_mode = #tpu.pipeline_mode<synchronous>, transform_indices = @transform_3, window_bounds = array<i64: 768>}, {pipeline_mode = #tpu.pipeline_mode<synchronous>, transform_indices = @transform_4, window_bounds = array<i64: 768>}, {pipeline_mode = #tpu.pipeline_mode<synchronous>, transform_indices = @transform_5, window_bounds = array<i64: 768>}, {pipeline_mode = #tpu.pipeline_mode<synchronous>, transform_indices = @transform_6, window_bounds = array<i64: 768>}, {pipeline_mode = #tpu.pipeline_mode<synchronous>, transform_indices = @transform_7, window_bounds = array<i64: 768, 256>}, {pipeline_mode = #tpu.pipeline_mode<synchronous>, transform_indices = @transform_8, window_bounds = array<i64: 256>}, {pipeline_mode = #tpu.pipeline_mode<synchronous>, transform_indices = @transform_9, window_bounds = array<i64: 256>}, {pipeline_mode = #tpu.pipeline_mode<synchronous>, transform_indices = @transform_10, window_bounds = array<i64: 256>}, {pipeline_mode = #tpu.pipeline_mode<synchronous>, transform_indices = @transform_11, window_bounds = array<i64: 256, 768>}, {pipeline_mode = #tpu.pipeline_mode<synchronous>, transform_indices = @transform_12, window_bounds = array<i64: 768>}, {transform_indices = @transform_13, window_bounds = array<i64: 4096, 768>}, {transform_indices = @transform_14, window_bounds = array<i64: 1>}]} {
    %eq3A = arith.constant 0 : i32
    %eq3A_0 = arith.cmpi eq, %arg0, %eq3A : i32
    %convert_element_type3A = arith.extui %eq3A_0 : i1 to i32
    %cond3A = arith.constant 0 : i32
    %cond3A_1 = arith.cmpi ne, %convert_element_type3A, %cond3A : i32
    scf.if %cond3A_1 {
      %get3A_65 = arith.constant 0 : index
      %get3A_66 = vector.load %arg3[%get3A_65] : memref<768xf32, #tpu.memory_space<vmem>>, vector<768xf32>
      %broadcast_in_dim3A_67 = vector.shape_cast %get3A_66 : vector<768xf32> to vector<1x768xf32>
      %get3A_68 = arith.constant 0 : index
      %get3A_69 = vector.load %arg4[%get3A_68] : memref<768xf32, #tpu.memory_space<vmem>>, vector<768xf32>
      %mul3A_70 = arith.constant 5.000000e-01 : f32
      %mul3A_71 = vector.broadcast %mul3A_70 : f32 to vector<768xf32>
      %mul3A_72 = arith.mulf %mul3A_71, %get3A_69 : vector<768xf32>
      %get3A_73 = arith.constant 0 : index
      %get3A_74 = vector.load %arg5[%get3A_73] : memref<768xf32, #tpu.memory_space<vmem>>, vector<768xf32>
      %add3A_75 = arith.addf %mul3A_72, %get3A_74 : vector<768xf32>
      %broadcast_in_dim3A_76 = vector.shape_cast %add3A_75 : vector<768xf32> to vector<1x768xf32>
      %get3A_77 = arith.constant 0 : index
      %get3A_78 = vector.load %arg6[%get3A_77] : memref<768xf32, #tpu.memory_space<vmem>>, vector<768xf32>
      %mul3A_79 = arith.constant 5.000000e-01 : f32
      %mul3A_80 = vector.broadcast %mul3A_79 : f32 to vector<768xf32>
      %mul3A_81 = arith.mulf %mul3A_80, %get3A_78 : vector<768xf32>
      %get3A_82 = arith.constant 0 : index
      %get3A_83 = vector.load %arg7[%get3A_82] : memref<768xf32, #tpu.memory_space<vmem>>, vector<768xf32>
      %add3A_84 = arith.addf %mul3A_81, %get3A_83 : vector<768xf32>
      %broadcast_in_dim3A_85 = vector.shape_cast %add3A_84 : vector<768xf32> to vector<1x768xf32>
      %concatenate3A = tpu.concatenate %broadcast_in_dim3A_67, %broadcast_in_dim3A_76, %broadcast_in_dim3A_85 in 0 : vector<1x768xf32>, vector<1x768xf32>, vector<1x768xf32> -> vector<3x768xf32>
      %get3A_86 = arith.constant 0 : index
      %get3A_87 = arith.constant 0 : index
      %get3A_88 = vector.load %arg8[%get3A_86, %get3A_87] : memref<768x256xf32, #tpu.memory_space<vmem>>, vector<768x256xf32>
      %dot_general3A_89 = arith.constant dense<0.000000e+00> : vector<3x256xf32>
      %dot_general3A_90 = tpu.matmul %concatenate3A, %get3A_88, %dot_general3A_89 {dimension_numbers = #tpu.dot_dimension_numbers<[1], [0], [0], [1], [0, 0, 1, 1], [], []>, transpose_lhs_hint = false} : vector<3x768xf32>, vector<768x256xf32>, vector<3x256xf32> -> vector<3x256xf32>
      %swap3A_91 = arith.constant 0 : index
      %swap3A_92 = arith.constant 0 : index
      %swap3A_93 = vector.load %arg16[%swap3A_91, %swap3A_92] : memref<3x256xf32, #tpu.memory_space<vmem>>, vector<3x256xf32>
      tpu.vector_store %arg16[%swap3A_91, %swap3A_92], %dot_general3A_90 {strides = array<i32>} : memref<3x256xf32, #tpu.memory_space<vmem>>, vector<3x256xf32>,
      %get3A_94 = arith.constant 0 : index
      %get3A_95 = arith.constant 0 : index
      %get3A_96 = vector.load %arg2[%get3A_94, %get3A_95] : memref<32x96xf32, #tpu.memory_space<vmem>>, vector<32x96xf32>
      %slice3A_97 = vector.extract_strided_slice %get3A_96 {offsets = [0, 0], sizes = [32, 16], strides = [1, 1]} : vector<32x96xf32> to vector<32x16xf32>
      %reduce_sum3A_98 = vector.shape_cast %slice3A_97 : vector<32x16xf32> to vector<1x32x16xf32>
      %reduce_sum3A_99 = arith.constant dense<0.000000e+00> : vector<1xf32>
      %reduce_sum3A_100 = vector.multi_reduction <add>, %reduce_sum3A_98, %reduce_sum3A_99 [1, 2] : vector<1x32x16xf32> to vector<1xf32>
      %reduce_sum3A_101 = vector.shape_cast %reduce_sum3A_100 : vector<1xf32> to vector<1x1x1xf32>
      %reduce_sum3A_102 = vector.extract %reduce_sum3A_101[0, 0, 0] : f32 from vector<1x1x1xf32>
      %slice3A_103 = vector.extract_strided_slice %get3A_96 {offsets = [0, 48], sizes = [32, 16], strides = [1, 1]} : vector<32x96xf32> to vector<32x16xf32>
      %reduce_sum3A_104 = vector.shape_cast %slice3A_103 : vector<32x16xf32> to vector<1x32x16xf32>
      %reduce_sum3A_105 = arith.constant dense<0.000000e+00> : vector<1xf32>
      %reduce_sum3A_106 = vector.multi_reduction <add>, %reduce_sum3A_104, %reduce_sum3A_105 [1, 2] : vector<1x32x16xf32> to vector<1xf32>
      %reduce_sum3A_107 = vector.shape_cast %reduce_sum3A_106 : vector<1xf32> to vector<1x1x1xf32>
      %reduce_sum3A_108 = vector.extract %reduce_sum3A_107[0, 0, 0] : f32 from vector<1x1x1xf32>
      %mul3A_109 = arith.constant 3.05175781E-5 : f32
      %mul3A_110 = arith.mulf %reduce_sum3A_102, %mul3A_109 : f32
      %mul3A_111 = arith.constant 3.05175781E-5 : f32
      %mul3A_112 = arith.mulf %reduce_sum3A_108, %mul3A_111 : f32
      %mul3A_113 = arith.mulf %mul3A_110, %mul3A_112 : f32
      %add3A_114 = arith.constant 0.000000e+00 : f32
      %add3A_115 = arith.addf %add3A_114, %mul3A_113 : f32
      %slice3A_116 = vector.extract_strided_slice %get3A_96 {offsets = [0, 16], sizes = [32, 16], strides = [1, 1]} : vector<32x96xf32> to vector<32x16xf32>
      %reduce_sum3A_117 = vector.shape_cast %slice3A_116 : vector<32x16xf32> to vector<1x32x16xf32>
      %reduce_sum3A_118 = arith.constant dense<0.000000e+00> : vector<1xf32>
      %reduce_sum3A_119 = vector.multi_reduction <add>, %reduce_sum3A_117, %reduce_sum3A_118 [1, 2] : vector<1x32x16xf32> to vector<1xf32>
      %reduce_sum3A_120 = vector.shape_cast %reduce_sum3A_119 : vector<1xf32> to vector<1x1x1xf32>
      %reduce_sum3A_121 = vector.extract %reduce_sum3A_120[0, 0, 0] : f32 from vector<1x1x1xf32>
      %slice3A_122 = vector.extract_strided_slice %get3A_96 {offsets = [0, 64], sizes = [32, 16], strides = [1, 1]} : vector<32x96xf32> to vector<32x16xf32>
      %reduce_sum3A_123 = vector.shape_cast %slice3A_122 : vector<32x16xf32> to vector<1x32x16xf32>
      %reduce_sum3A_124 = arith.constant dense<0.000000e+00> : vector<1xf32>
      %reduce_sum3A_125 = vector.multi_reduction <add>, %reduce_sum3A_123, %reduce_sum3A_124 [1, 2] : vector<1x32x16xf32> to vector<1xf32>
      %reduce_sum3A_126 = vector.shape_cast %reduce_sum3A_125 : vector<1xf32> to vector<1x1x1xf32>
      %reduce_sum3A_127 = vector.extract %reduce_sum3A_126[0, 0, 0] : f32 from vector<1x1x1xf32>
      %mul3A_128 = arith.constant 3.05175781E-5 : f32
      %mul3A_129 = arith.mulf %reduce_sum3A_121, %mul3A_128 : f32
      %mul3A_130 = arith.constant 3.05175781E-5 : f32
      %mul3A_131 = arith.mulf %reduce_sum3A_127, %mul3A_130 : f32
      %mul3A_132 = arith.mulf %mul3A_129, %mul3A_131 : f32
      %add3A_133 = arith.addf %add3A_115, %mul3A_132 : f32
      %slice3A_134 = vector.extract_strided_slice %get3A_96 {offsets = [0, 32], sizes = [32, 16], strides = [1, 1]} : vector<32x96xf32> to vector<32x16xf32>
      %reduce_sum3A_135 = vector.shape_cast %slice3A_134 : vector<32x16xf32> to vector<1x32x16xf32>
      %reduce_sum3A_136 = arith.constant dense<0.000000e+00> : vector<1xf32>
      %reduce_sum3A_137 = vector.multi_reduction <add>, %reduce_sum3A_135, %reduce_sum3A_136 [1, 2] : vector<1x32x16xf32> to vector<1xf32>
      %reduce_sum3A_138 = vector.shape_cast %reduce_sum3A_137 : vector<1xf32> to vector<1x1x1xf32>
      %reduce_sum3A_139 = vector.extract %reduce_sum3A_138[0, 0, 0] : f32 from vector<1x1x1xf32>
      %slice3A_140 = vector.extract_strided_slice %get3A_96 {offsets = [0, 80], sizes = [32, 16], strides = [1, 1]} : vector<32x96xf32> to vector<32x16xf32>
      %reduce_sum3A_141 = vector.shape_cast %slice3A_140 : vector<32x16xf32> to vector<1x32x16xf32>
      %reduce_sum3A_142 = arith.constant dense<0.000000e+00> : vector<1xf32>
      %reduce_sum3A_143 = vector.multi_reduction <add>, %reduce_sum3A_141, %reduce_sum3A_142 [1, 2] : vector<1x32x16xf32> to vector<1xf32>
      %reduce_sum3A_144 = vector.shape_cast %reduce_sum3A_143 : vector<1xf32> to vector<1x1x1xf32>
      %reduce_sum3A_145 = vector.extract %reduce_sum3A_144[0, 0, 0] : f32 from vector<1x1x1xf32>
      %mul3A_146 = arith.constant 3.05175781E-5 : f32
      %mul3A_147 = arith.mulf %reduce_sum3A_139, %mul3A_146 : f32
      %mul3A_148 = arith.constant 3.05175781E-5 : f32
      %mul3A_149 = arith.mulf %reduce_sum3A_145, %mul3A_148 : f32
      %mul3A_150 = arith.mulf %mul3A_147, %mul3A_149 : f32
      %add3A_151 = arith.addf %add3A_133, %mul3A_150 : f32
      %mul3A_152 = arith.constant 3.000000e+00 : f32
      %mul3A_153 = arith.mulf %mul3A_152, %add3A_151 : f32
      %swap3A_154 = arith.constant 0 : index
      %swap3A_155 = memref.load %arg15[%swap3A_154] : memref<1xf32, #tpu.memory_space<smem>>
      memref.store %mul3A_153, %arg15[%swap3A_154] : memref<1xf32, #tpu.memory_space<smem>>
    } else {
    }
    %get3A = arith.constant 0 : index
    %get3A_2 = arith.constant 0 : index
    %get3A_3 = arith.constant 0 : index
    %get3A_4 = vector.load %arg1[%get3A, %get3A_2, %get3A_3] : memref<32x8x128xf32, #tpu.memory_space<vmem>>, vector<32x8x128xf32>
    %slice3A = vector.extract_strided_slice %get3A_4 {offsets = [0, 0, 0], sizes = [32, 3, 128], strides = [1, 1, 1]} : vector<32x8x128xf32> to vector<32x3x128xf32>
    %transpose3A = tpu.transpose %slice3A, [1, 0, 2] : vector<32x3x128xf32> -> vector<3x32x128xf32>
    %reshape3A = vector.shape_cast %transpose3A : vector<3x32x128xf32> to vector<3x4096xf32>
    %get3A_5 = arith.constant 0 : index
    %get3A_6 = arith.constant 0 : index
    %get3A_7 = vector.load %arg16[%get3A_5, %get3A_6] : memref<3x256xf32, #tpu.memory_space<vmem>>, vector<3x256xf32>
    %dot_general3A = arith.constant dense<0.000000e+00> : vector<4096x256xf32>
    %dot_general3A_8 = tpu.matmul %reshape3A, %get3A_7, %dot_general3A {dimension_numbers = #tpu.dot_dimension_numbers<[0], [0], [1], [1], [0, 1, 1, 1], [], []>, transpose_lhs_hint = false} : vector<3x4096xf32>, vector<3x256xf32>, vector<4096x256xf32> -> vector<4096x256xf32>
    %get3A_9 = arith.constant 0 : index
    %get3A_10 = vector.load %arg9[%get3A_9] : memref<256xf32, #tpu.memory_space<vmem>>, vector<256xf32>
    %broadcast_in_dim3A = vector.shape_cast %get3A_10 : vector<256xf32> to vector<1x256xf32>
    %add3A = vector.broadcast %broadcast_in_dim3A : vector<1x256xf32> to vector<4096x256xf32>
    %add3A_11 = arith.addf %dot_general3A_8, %add3A : vector<4096x256xf32>
    %mul3A = arith.constant 5.000000e-01 : f32
    %mul3A_12 = vector.broadcast %mul3A : f32 to vector<4096x256xf32>
    %mul3A_13 = arith.mulf %mul3A_12, %add3A_11 : vector<4096x256xf32>
    %mul3A_14 = arith.constant 0.707106769 : f32
    %mul3A_15 = vector.broadcast %mul3A_14 : f32 to vector<4096x256xf32>
    %mul3A_16 = arith.mulf %add3A_11, %mul3A_15 : vector<4096x256xf32>
    %erf3A = math.erf %mul3A_16 : vector<4096x256xf32>
    %add3A_17 = arith.constant 1.000000e+00 : f32
    %add3A_18 = vector.broadcast %add3A_17 : f32 to vector<4096x256xf32>
    %add3A_19 = arith.addf %add3A_18, %erf3A : vector<4096x256xf32>
    %mul3A_20 = arith.mulf %mul3A_13, %add3A_19 : vector<4096x256xf32>
    %reduce_sum3A = arith.constant dense<0.000000e+00> : vector<4096xf32>
    %reduce_sum3A_21 = vector.multi_reduction <add>, %mul3A_20, %reduce_sum3A [1] : vector<4096x256xf32> to vector<4096xf32>
    %broadcast_in_dim3A_22 = vector.shape_cast %reduce_sum3A_21 : vector<4096xf32> to vector<4096x1xf32>
    %div3A = arith.constant 2.560000e+02 : f32
    %div3A_23 = vector.broadcast %div3A : f32 to vector<4096x1xf32>
    %div3A_24 = arith.divf %broadcast_in_dim3A_22, %div3A_23 : vector<4096x1xf32>
    %sub3A = vector.broadcast %div3A_24 : vector<4096x1xf32> to vector<4096x256xf32>
    %sub3A_25 = arith.subf %mul3A_20, %sub3A : vector<4096x256xf32>
    %sub3A_26 = vector.broadcast %div3A_24 : vector<4096x1xf32> to vector<4096x256xf32>
    %sub3A_27 = arith.subf %mul3A_20, %sub3A_26 : vector<4096x256xf32>
    %mul3A_28 = arith.mulf %sub3A_25, %sub3A_27 : vector<4096x256xf32>
    %reduce_sum3A_29 = arith.constant dense<0.000000e+00> : vector<4096xf32>
    %reduce_sum3A_30 = vector.multi_reduction <add>, %mul3A_28, %reduce_sum3A_29 [1] : vector<4096x256xf32> to vector<4096xf32>
    %broadcast_in_dim3A_31 = vector.shape_cast %reduce_sum3A_30 : vector<4096xf32> to vector<4096x1xf32>
    %div3A_32 = arith.constant 2.560000e+02 : f32
    %div3A_33 = vector.broadcast %div3A_32 : f32 to vector<4096x1xf32>
    %div3A_34 = arith.divf %broadcast_in_dim3A_31, %div3A_33 : vector<4096x1xf32>
    %sub3A_35 = vector.broadcast %div3A_24 : vector<4096x1xf32> to vector<4096x256xf32>
    %sub3A_36 = arith.subf %mul3A_20, %sub3A_35 : vector<4096x256xf32>
    %add3A_37 = arith.constant 9.99999974E-6 : f32
    %add3A_38 = vector.broadcast %add3A_37 : f32 to vector<4096x1xf32>
    %add3A_39 = arith.addf %div3A_34, %add3A_38 : vector<4096x1xf32>
    %rsqrt3A = math.rsqrt %add3A_39 : vector<4096x1xf32>
    %mul3A_40 = vector.broadcast %rsqrt3A : vector<4096x1xf32> to vector<4096x256xf32>
    %mul3A_41 = arith.mulf %sub3A_36, %mul3A_40 : vector<4096x256xf32>
    %get3A_42 = arith.constant 0 : index
    %get3A_43 = vector.load %arg10[%get3A_42] : memref<256xf32, #tpu.memory_space<vmem>>, vector<256xf32>
    %broadcast_in_dim3A_44 = vector.shape_cast %get3A_43 : vector<256xf32> to vector<1x256xf32>
    %mul3A_45 = vector.broadcast %broadcast_in_dim3A_44 : vector<1x256xf32> to vector<4096x256xf32>
    %mul3A_46 = arith.mulf %mul3A_41, %mul3A_45 : vector<4096x256xf32>
    %get3A_47 = arith.constant 0 : index
    %get3A_48 = vector.load %arg11[%get3A_47] : memref<256xf32, #tpu.memory_space<vmem>>, vector<256xf32>
    %broadcast_in_dim3A_49 = vector.shape_cast %get3A_48 : vector<256xf32> to vector<1x256xf32>
    %add3A_50 = vector.broadcast %broadcast_in_dim3A_49 : vector<1x256xf32> to vector<4096x256xf32>
    %add3A_51 = arith.addf %mul3A_46, %add3A_50 : vector<4096x256xf32>
    %convert_element_type3A_52 = arith.truncf %add3A_51 : vector<4096x256xf32> to vector<4096x256xbf16>
    %get3A_53 = arith.constant 0 : index
    %get3A_54 = arith.constant 0 : index
    %get3A_55 = vector.load %arg12[%get3A_53, %get3A_54] : memref<256x768xbf16, #tpu.memory_space<vmem>>, vector<256x768xbf16>
    %dot_general3A_56 = arith.constant dense<0.000000e+00> : vector<4096x768xf32>
    %dot_general3A_57 = tpu.matmul %convert_element_type3A_52, %get3A_55, %dot_general3A_56 {dimension_numbers = #tpu.dot_dimension_numbers<[1], [0], [0], [1], [0, 0, 1, 1], [], []>, transpose_lhs_hint = false} : vector<4096x256xbf16>, vector<256x768xbf16>, vector<4096x768xf32> -> vector<4096x768xf32>
    %get3A_58 = arith.constant 0 : index
    %get3A_59 = vector.load %arg13[%get3A_58] : memref<768xf32, #tpu.memory_space<vmem>>, vector<768xf32>
    %broadcast_in_dim3A_60 = vector.shape_cast %get3A_59 : vector<768xf32> to vector<1x768xf32>
    %add3A_61 = vector.broadcast %broadcast_in_dim3A_60 : vector<1x768xf32> to vector<4096x768xf32>
    %add3A_62 = arith.addf %dot_general3A_57, %add3A_61 : vector<4096x768xf32>
    %swap3A = arith.constant 0 : index
    %swap3A_63 = arith.constant 0 : index
    %swap3A_64 = vector.load %arg14[%swap3A, %swap3A_63] : memref<4096x768xf32, #tpu.memory_space<vmem>>, vector<4096x768xf32>
    tpu.vector_store %arg14[%swap3A, %swap3A_63], %add3A_62 {strides = array<i32>} : memref<4096x768xf32, #tpu.memory_space<vmem>>, vector<4096x768xf32>,
    return
  }
  func.func @transform_0(%arg0: i32) -> (i32, i32, i32) {
    %c0_i32 = arith.constant 0 : i32
    %c0_i32_0 = arith.constant 0 : i32
    %c0_i32_1 = arith.constant 0 : i32
    return %arg0, %c0_i32, %c0_i32_0 : i32, i32, i32
  }
  func.func @transform_1(%arg0: i32) -> (i32, i32) {
    %c0_i32 = arith.constant 0 : i32
    %c0_i32_0 = arith.constant 0 : i32
    %c0_i32_1 = arith.constant 0 : i32
    return %c0_i32, %c0_i32_0 : i32, i32
  }
  func.func @transform_2(%arg0: i32) -> i32 {
    %c0_i32 = arith.constant 0 : i32
    %c0_i32_0 = arith.constant 0 : i32
    return %c0_i32 : i32
  }
  func.func @transform_3(%arg0: i32) -> i32 {
    %c0_i32 = arith.constant 0 : i32
    %c0_i32_0 = arith.constant 0 : i32
    return %c0_i32 : i32
  }
  func.func @transform_4(%arg0: i32) -> i32 {
    %c0_i32 = arith.constant 0 : i32
    %c0_i32_0 = arith.constant 0 : i32
    return %c0_i32 : i32
  }
  func.func @transform_5(%arg0: i32) -> i32 {
    %c0_i32 = arith.constant 0 : i32
    %c0_i32_0 = arith.constant 0 : i32
    return %c0_i32 : i32
  }
  func.func @transform_6(%arg0: i32) -> i32 {
    %c0_i32 = arith.constant 0 : i32
    %c0_i32_0 = arith.constant 0 : i32
    return %c0_i32 : i32
  }
  func.func @transform_7(%arg0: i32) -> (i32, i32) {
    %c0_i32 = arith.constant 0 : i32
    %c0_i32_0 = arith.constant 0 : i32
    %c0_i32_1 = arith.constant 0 : i32
    return %c0_i32, %c0_i32_0 : i32, i32
  }
  func.func @transform_8(%arg0: i32) -> i32 {
    %c0_i32 = arith.constant 0 : i32
    %c0_i32_0 = arith.constant 0 : i32
    return %c0_i32 : i32
  }
  func.func @transform_9(%arg0: i32) -> i32 {
    %c0_i32 = arith.constant 0 : i32
    %c0_i32_0 = arith.constant 0 : i32
    return %c0_i32 : i32
  }
  func.func @transform_10(%arg0: i32) -> i32 {
    %c0_i32 = arith.constant 0 : i32
    %c0_i32_0 = arith.constant 0 : i32
    return %c0_i32 : i32
  }
  func.func @transform_11(%arg0: i32) -> (i32, i32) {
    %c0_i32 = arith.constant 0 : i32
    %c0_i32_0 = arith.constant 0 : i32
    %c0_i32_1 = arith.constant 0 : i32
    return %c0_i32, %c0_i32_0 : i32, i32
  }
  func.func @transform_12(%arg0: i32) -> i32 {
    %c0_i32 = arith.constant 0 : i32
    %c0_i32_0 = arith.constant 0 : i32
    return %c0_i32 : i32
  }
  func.func @transform_13(%arg0: i32) -> (i32, i32) {
    %c0_i32 = arith.constant 0 : i32
    %c0_i32_0 = arith.constant 0 : i32
    return %arg0, %c0_i32 : i32, i32
  }
  func.func @transform_14(%arg0: i32) -> i32 {
    %c0_i32 = arith.constant 0 : i32
    %c0_i32_0 = arith.constant 0 : i32
    return %c0_i32 : i32
  }
}

module attributes {stable_mosaic.version = 14 : i64} {
  func.func @_logits_body(%arg0: i32, %arg1: memref<4096x768xf32, #tpu.memory_space<vmem>>, %arg2: memref<768x3xf32, #tpu.memory_space<vmem>>, %arg3: memref<3x1xf32, #tpu.memory_space<vmem>>, %arg4: memref<32x8x128xf32, #tpu.memory_space<vmem>>) attributes {dimension_semantics = [#tpu.dimension_semantics<arbitrary>], iteration_bounds = array<i64: 8>, scalar_prefetch = 0 : i64, scratch_operands = 0 : i64, tpu.core_type = #tpu.core_type<tc>, window_params = [{transform_indices = @transform_0, window_bounds = array<i64: 4096, 768>}, {pipeline_mode = #tpu.pipeline_mode<synchronous>, transform_indices = @transform_1, window_bounds = array<i64: 768, 3>}, {pipeline_mode = #tpu.pipeline_mode<synchronous>, transform_indices = @transform_2, window_bounds = array<i64: 3, 1>}, {transform_indices = @transform_3, window_bounds = array<i64: 32, 8, 128>}]} {
    %get3A = arith.constant 0 : index
    %get3A_0 = arith.constant 0 : index
    %get3A_1 = vector.load %arg2[%get3A, %get3A_0] : memref<768x3xf32, #tpu.memory_space<vmem>>, vector<768x3xf32>
    %get3A_2 = arith.constant 0 : index
    %get3A_3 = arith.constant 0 : index
    %get3A_4 = vector.load %arg1[%get3A_2, %get3A_3] : memref<4096x768xf32, #tpu.memory_space<vmem>>, vector<4096x768xf32>
    %dot_general3A = arith.constant dense<0.000000e+00> : vector<3x4096xf32>
    %dot_general3A_5 = tpu.matmul %get3A_1, %get3A_4, %dot_general3A {dimension_numbers = #tpu.dot_dimension_numbers<[0], [1], [1], [0], [0, 1, 1, 0], [], []>, transpose_lhs_hint = false} : vector<768x3xf32>, vector<4096x768xf32>, vector<3x4096xf32> -> vector<3x4096xf32>
    %get3A_6 = arith.constant 0 : index
    %get3A_7 = arith.constant 0 : index
    %get3A_8 = vector.load %arg3[%get3A_6, %get3A_7] : memref<3x1xf32, #tpu.memory_space<vmem>>, vector<3x1xf32>
    %add3A = vector.broadcast %get3A_8 : vector<3x1xf32> to vector<3x4096xf32>
    %add3A_9 = arith.addf %dot_general3A_5, %add3A : vector<3x4096xf32>
    %broadcast_in_dim3A = arith.constant 0.000000e+00 : f32
    %broadcast_in_dim3A_10 = vector.broadcast %broadcast_in_dim3A : f32 to vector<5x4096xf32>
    %concatenate3A = tpu.concatenate %add3A_9, %broadcast_in_dim3A_10 in 0 : vector<3x4096xf32>, vector<5x4096xf32> -> vector<8x4096xf32>
    %reshape3A = vector.shape_cast %concatenate3A : vector<8x4096xf32> to vector<8x32x128xf32>
    %transpose3A = tpu.transpose %reshape3A, [1, 0, 2] : vector<8x32x128xf32> -> vector<32x8x128xf32>
    %swap3A = arith.constant 0 : index
    %swap3A_11 = arith.constant 0 : index
    %swap3A_12 = arith.constant 0 : index
    %swap3A_13 = vector.load %arg4[%swap3A, %swap3A_11, %swap3A_12] : memref<32x8x128xf32, #tpu.memory_space<vmem>>, vector<32x8x128xf32>
    tpu.vector_store %arg4[%swap3A, %swap3A_11, %swap3A_12], %transpose3A {strides = array<i32>} : memref<32x8x128xf32, #tpu.memory_space<vmem>>, vector<32x8x128xf32>,
    return
  }
  func.func @transform_0(%arg0: i32) -> (i32, i32) {
    %c0_i32 = arith.constant 0 : i32
    %c0_i32_0 = arith.constant 0 : i32
    return %arg0, %c0_i32 : i32, i32
  }
  func.func @transform_1(%arg0: i32) -> (i32, i32) {
    %c0_i32 = arith.constant 0 : i32
    %c0_i32_0 = arith.constant 0 : i32
    %c0_i32_1 = arith.constant 0 : i32
    return %c0_i32, %c0_i32_0 : i32, i32
  }
  func.func @transform_2(%arg0: i32) -> (i32, i32) {
    %c0_i32 = arith.constant 0 : i32
    %c0_i32_0 = arith.constant 0 : i32
    %c0_i32_1 = arith.constant 0 : i32
    return %c0_i32, %c0_i32_0 : i32, i32
  }
  func.func @transform_3(%arg0: i32) -> (i32, i32, i32) {
    %c0_i32 = arith.constant 0 : i32
    %c0_i32_0 = arith.constant 0 : i32
    %c0_i32_1 = arith.constant 0 : i32
    return %arg0, %c0_i32, %c0_i32_0 : i32, i32, i32
  }
}

</mosaic_0001>

<sc_bundles>
// kernel: kernel.5.cloned.1.call-start
scs
__scs_entry_jumppad:
0x0: {  	(pc) =	sbr.rel $0x88, $3  }
0x1: {  	(tag) =	ssettag $0x0;
	lr =	simm.s32 $0x1  }
0x2: {  	[smem:$0x3F93] =	sst lr;
	_ =	strace $0xD0000000  }
0x3: {  	_ = 	snop  }
0x4: {  	_ = 	snop  }
0x5: {  	_ = 	snop  }
0x6: {  	_ = 	snop  }
0x7: {  	_ = 	snop  }
__scs_overlays_trampoline_lowered:
0x8: {  	[smem:$0x3FA2] =	sst s0  }
0x9: {  	[smem:$0x3FA3] =	sst s1  }
0xa: {  	[smem:$0x3FA4] =	sst s2  }
0xb: {  	[smem:$0x3FA5] =	sst s3  }
0xc: {  	[smem:$0x3FA6] =	sst s4  }
0xd: {  	[smem:$0x3FA7] =	sst s5  }
0xe: {  	[smem:$0x3FA8] =	sst s6  }
0xf: {  	[smem:$0x3FA9] =	sst s7  }
0x10: {  	[smem:$0x3FAA] =	sst s8  }
0x11: {  	[smem:$0x3FAB] =	sst s9;
	s0 =	simm.s32 @!p0 $0x0  }
0x12: {  	s1 =	sld [smem:$0x3F91];
	s0 =	simm.s32 @p0 $0x1  }
0x13: {  	[smem:$0x3FAC] =	sst s0;
	s0 =	simm.s32 @!p1 $0x0  }
0x14: {  	s2 =	sld [smem:$0x3F90];
	s0 =	simm.s32 @p1 $0x1  }
0x15: {  	[smem:$0x3FAD] =	sst s0;
	s0 =	simm.s32 @!p2 $0x0  }
0x16: {  	s3 =	sld [smem:$0x3FDB];
	s0 =	simm.s32 @p2 $0x1  }
0x17: {  	s4 =	simm.s32 $0x1BF5;
	[smem:$0x3FAF] =	sst s0  }
0x18: {  	s0 =	sld [smem:$0x3F92];
	_ =	swait.ge [sflag:s4], $0x0  }
0x19: {  	s7 =	sld [smem:$0x3F93]  }
0x1a: {  	s8 =	sadd.s32 $0xFFFFE003, lr  }
0x1b: {  	s9 =	sadd.s32 $0xFFFFFEF7, lr;
	s5 =	simm.s32 $0xFFFFFFFF;
	p2 =	slt.u32 s8, $0xFFFFF086  }
0x1c: {  	p1 =	slt.u32 s9, $0xF7A;
	s5 =	simm.s32 @!p2 $0x0  }
0x1d: {  	s5 =	simm.s32 @p1 $0x1;
	p0 =	seq.s32 s7, s2  }
0x1e: {  	s7 =	smul.u32 @!p0 $0xF7A, s2;
	p2 =	seq.s32 @!p0 s5, $0x0  }
0x1f: {  	s9 =	smul.u32 $0xF7A, s1;
	s8 =	simm.s32 @!p0 $0x1BF5;
	p2 =	por !p2, p0  }
0x20: {  	[sflag:s8] =	ssyncset.s32 @!p0 $0xFFFFF086;
	s6 =	sadd.s32 @!p0 s3, s7;
	s7 =	simm.s32 @!p0 $0x108  }
0x21: {  	s3 =	sadd.s32 s3, s9;
	s6 =	sadd.s32 @!p0 $0x88, s6;
	s7 =	simm.s32 @p2 $0x1082  }
0x22: {  	[simem:s7], [sflag:s8] =	dma.local @!p0 [hbm:s6], $0xF7A  }
0x23: {  	s9 =	sor.u32 $0xD0000000, s2;
	s6 =	simm.s32 $0x108;
	_ =	swait.ge @!p0 [sflag:s8], $0x0  }
0x24: {  	s3 =	sadd.s32 $0x88, s3;
	s6 =	simm.s32 @!p1 $0x1082;
	[sflag:s4] =	ssyncset.s32 $0xFFFFF086  }
0x25: {  	[simem:s6], [sflag:s4] =	dma.local [hbm:s3], $0xF7A  }
0x26: {  	[smem:$0x3F93] =	sst s1;
	(tag) =	ssettag s2;
	_ =	strace s9  }
0x27: {  	s1 =	sld [smem:$0x3FA3]  }
0x28: {  	s2 =	sld [smem:$0x3FA4]  }
0x29: {  	s4 =	sld [smem:$0x3FA6]  }
0x2a: {  	p0 =	seq.s32 s5, $0x0;
	s5 =	sld [smem:$0x3FA7]  }
0x2b: {  	s6 =	sld [smem:$0x3FA8]  }
0x2c: {  	s7 =	sld [smem:$0x3FA9]  }
0x2d: {  	s3 =	simm.s32 $0x108;
	s8 =	sld [smem:$0x3FAA]  }
0x2e: {  	s3 =	simm.s32 @!p0 $0x1082;
	s9 =	sld [smem:$0x3FAB]  }
0x2f: {  	lr =	sadd.s32 s0, s3;
	s0 =	sld [smem:$0x3FA2]  }
0x30: {  	s3 =	sld [smem:$0x3FA5]  }
0x31: {  	[smem:$0x3FAE] =	sst s10  }
0x32: {  	s10 =	sld [smem:$0x3FAC];
	_ =	sdelay $0x3  }
0x33: {  	p0 =	seq.s32 s10, $0x1;
	s10 =	sld [smem:$0x3FAE];
	_ =	sdelay $0x3  }
0x34: {  	[smem:$0x3FAE] =	sst s10  }
0x35: {  	s10 =	sld [smem:$0x3FAD];
	_ =	sdelay $0x3  }
0x36: {  	p1 =	seq.s32 s10, $0x1;
	s10 =	sld [smem:$0x3FAE];
	_ =	sdelay $0x3  }
0x37: {  	[smem:$0x3FAE] =	sst s10  }
0x38: {  	s10 =	sld [smem:$0x3FAF]  }
0x39: {  	_ = 	snop;
	(pc) =	sbr.ind lr, $3  }
0x3a: {  	_ = 	snop  }
0x3b: {  	_ = 	snop  }
0x3c: {  	p2 =	seq.s32 s10, $0x1;
	s10 =	sld [smem:$0x3FAE]  }
0x3d: {  	_ =	shalt  }
0x3e: {  	_ =	shalt  }
0x3f: {  	_ =	shalt  }
0x40: {  	_ =	shalt  }
0x41: {  	_ =	shalt  }
0x42: {  	_ =	shalt  }
0x43: {  	_ =	shalt  }
0x44: {  	_ =	shalt  }
0x45: {  	_ =	shalt  }
0x46: {  	_ =	shalt  }
0x47: {  	_ =	shalt  }
0x48: {  	_ =	shalt  }
0x49: {  	_ =	shalt  }
0x4a: {  	_ =	shalt  }
0x4b: {  	_ =	shalt  }
0x4c: {  	_ =	shalt  }
0x4d: {  	_ =	shalt  }
0x4e: {  	_ =	shalt  }
0x4f: {  	_ =	shalt  }
0x50: {  	_ =	shalt  }
0x51: {  	_ =	shalt  }
0x52: {  	_ =	shalt  }
0x53: {  	_ =	shalt  }
0x54: {  	_ =	shalt  }
0x55: {  	_ =	shalt  }
0x56: {  	_ =	shalt  }
0x57: {  	_ =	shalt  }
0x58: {  	_ =	shalt  }
0x59: {  	_ =	shalt  }
0x5a: {  	_ =	shalt  }
0x5b: {  	_ =	shalt  }
0x5c: {  	_ =	shalt  }
0x5d: {  	_ =	shalt  }
0x5e: {  	_ =	shalt  }
0x5f: {  	_ =	shalt  }
0x60: {  	_ =	shalt  }
0x61: {  	_ =	shalt  }
0x62: {  	_ =	shalt  }
0x63: {  	_ =	shalt  }
0x64: {  	_ =	shalt  }
0x65: {  	_ =	shalt  }
0x66: {  	_ =	shalt  }
0x67: {  	_ =	shalt  }
0x68: {  	_ =	shalt  }
0x69: {  	_ =	shalt  }
0x6a: {  	_ =	shalt  }
0x6b: {  	_ =	shalt  }
0x6c: {  	_ =	shalt  }
0x6d: {  	_ =	shalt  }
0x6e: {  	_ =	shalt  }
0x6f: {  	_ =	shalt  }
0x70: {  	_ =	shalt  }
0x71: {  	_ =	shalt  }
0x72: {  	_ =	shalt  }
0x73: {  	_ =	shalt  }
0x74: {  	_ =	shalt  }
0x75: {  	_ =	shalt  }
0x76: {  	_ =	shalt  }
0x77: {  	_ =	shalt  }
0x78: {  	_ =	shalt  }
0x79: {  	_ =	shalt  }
0x7a: {  	_ =	shalt  }
0x7b: {  	_ =	shalt  }
0x7c: {  	_ =	shalt  }
0x7d: {  	_ =	shalt  }
0x7e: {  	_ =	shalt  }
0x7f: {  	_ =	shalt  }
0x80: {  	_ =	shalt  }
0x81: {  	_ =	shalt  }
0x82: {  	_ =	shalt  }
0x83: {  	_ =	shalt  }
0x84: {  	_ =	shalt  }
0x85: {  	_ =	shalt  }
0x86: {  	_ =	shalt  }
0x87: {  	_ =	shalt  }
.Lfunc_end0:
.L_simem_size_0:
called_computation_lowered:
.L_overlay_start_0:
0x88: {  	s2 =	sld [smem:$0x3FD9]  }
0x89: {  	s3 =	sld [smem:$0x3FFE];
	_ =	sdelay $0x1  }
0x8a: {  	s1 =	srdreg.scid  }
0x8b: {  	s0 =	sand.u32 $0x1, s1  }
0x8c: {  	s14 =	sshll.u32 s0, $0xA;
	s2 =	sadd.s32 s3, s2  }
0x8d: {  	s2 =	sadd.s32 s2, s14  }
0x8e: {  	[smem:$0x3FBA] =	sst s2  }
0x8f: {  	_ = 	snop  }
0x90: {  	s2 =	sld [smem:$0x3FD0];
	_ =	sdelay $0x2  }
0x91: {  	s15 =	simm.s32 $0xA;
	s4 =	simm.s32 $0x10  }
0x92: {  	[smem:s4], [sflag:s15] =	dma.local [hbm:s2], $0x1  }
0x93: {  	_ =	swait.eq [sflag:s15], $0x1  }
0x94: {  	[sflag:s15] =	ssyncset.done $0x0  }
0x95: {  	[sflag:s15] =	ssyncadd.s32 $0xFFFFFFFF  }
0x96: {  	s16 =	sld [smem:$0x10];
	(tm) =	ssettm $0x1  }
0x97: {  	s17 =	sld [smem:$0x3FFB];
	_ =	sdelay $0x3  }
0x98: {  	_ =	strace s17  }
0x99: {  	s3 =	sld [smem:$0x3FFC];
	_ =	sdelay $0x3  }
0x9a: {  	_ =	strace s3  }
0x9b: {  	s3 =	sld [smem:$0x3FFD];
	_ =	sdelay $0x3  }
0x9c: {  	_ =	strace s3  }
0x9d: {  	_ =	strace $0x8FFFFFFF  }
0x9e: {  	s18 =	sld [smem:$0x3FDB];
	_ =	sdelay $0x1  }
0x9f: {  	s19 =	simm.s32 $_scs_section_size  }
0xa0: {  	s5 =	simm.s32 $_size__tile_overlayer_lowered;
	s6 =	simm.s32 $_tile_overlayer_lowered  }
0xa1: {  	s22 =	simm.s32 $0x1BFF;
	s21 =	sshll.u32 s6, $0x1;
	s3 =	sadd.s32 s19, s18  }
0xa2: {  	s7 =	simm.s32 $0x0;
	s20 =	sshll.u32 s5, $0x1;
	s5 =	sadd.s32 s21, s3  }
0xa3: {  	[timem:s7], [sflag:s22] =	dma.local [hbm:s5], s20  }
0xa4: {  	_ =	swait.ge [sflag:s22], s20  }
0xa5: {  	s4 =	ssub.s32 $0x0, s20;
	[sflag:s22] =	ssyncset.done $0x0  }
0xa6: {  	[sflag:s22] =	ssyncadd.s32 s4;
	_ =	sdelay $0x1  }
0xa7: {  	s23 =	simm.s32 $0x1B8B  }
0xa8: {  	_ =	swait.ge [sflag:s23], $0x1  }
0xa9: {  	[sflag:s23] =	ssyncset.done $0x0  }
0xaa: {  	s25 =	simm.s32 $0x1B8E;
	s24 =	sld [smem:$0x3FFE];
	[sflag:s23] =	ssyncadd.s32 $0xFFFFFFFF  }
0xab: {  	s26 =	simm.s32 $execute0_lowered;
	[smem:$0x3FD2] =	sst s25  }
0xac: {  	s5 =	sshll.u32 s26, $0x1;
	_ =	strace $0x80000046;
	[dreg:$0x1] =	wrdreg $0xFFFFFFFF  }
0xad: {  	s28 =	simm.s32 $_size_execute0_lowered;
	s3 =	sadd.s32 s3, s5;
	[dreg:$0x0] =	wrdreg $0x0  }
0xae: {  	s5 =	sshll.u32 s28, $0x1;
	[dreg:$0x2] =	wrdreg s3  }
0xaf: {  	[dreg:$0x3] =	wrdreg s5  }
0xb0: {  	[dreg:$0x4] =	wrdreg $0xC0  }
0xb1: {  	_ =	task [dreg:s7], $0x5FFFF  }
0xb2: {  	[dreg:$0x1] =	wrdreg $0xFFFFFFFF  }
0xb3: {  	[dreg:$0x0] =	wrdreg $0x60  }
0xb4: {  	[dreg:$0x2] =	wrdreg s16  }
0xb5: {  	[dreg:$0x3] =	wrdreg s24  }
0xb6: {  	[dreg:$0x4] =	wrdreg $0x9  }
0xb7: {  	_ =	task.clear_ibuf [dreg:s7], $0x5FFFF;
	_ =	strace $0x90000046  }
0xb8: {  	s29 =	simm.s32 $0x9;
	_ =	strace $0x80000048  }
0xb9: {  	_ =	swait.ge [sflag:s29], $0x1  }
0xba: {  	[sflag:s29] =	ssyncadd.s32 $0xFFFFFFFF  }
0xbb: {  	_ =	strace $0x90000048  }
0xbc: {  	_ =	sfence  }
0xbd: {  	s30 =	sld [smem:$0x0];
	_ =	sdelay $0x2  }
0xbe: {  	s31 =	sshll.u32 s1, $0xD;
	s1 =	sshrl.u32 s1, $0x2  }
0xbf: {  	s3 =	sand.u32 $0x4000, s31;
	s1 =	sadd.s32 s1, s30  }
0xc0: {  	s0 =	sor.u32 s3, s0;
	s1 =	sshll.u32 s1, $0x11  }
0xc1: {  	s0 =	sor.u32 s1, s0  }
0xc2: {  	s0 =	sadd.s32 $0x8F2B, s0  }
0xc3: {  	[sflag:s0] =	ssyncadd.remote.s32 $0x1  }
0xc4: {  	_ =	sfence.sel $0xFFFF  }
0xc5: {  	[dreg:$0x0] =	wrdreg $0xFFFFFFFF;
	(pc) =	sbr.abs _section_cstart, $3  }
0xc6: {  	[dreg:$0x1] =	wrdreg $0xFFFFFFFF  }
0xc7: {  	_ =	task.clear_ibuf [dreg:s7], $0x2FFFF;
	_ =	strace $0x9FFFFFFF  }
0xc8: {  	(tm) =	ssettm $0x7FFFFFFF  }
0xc9: {  	_ =	shalt  }
tec
execute0_lowered:
.L_overlay_start_1:
0x0: {  	(tag) =	ssettag $0x1  }
0x1: {  	s3 =	rddreg [dreg:$0x0];
	s1 =	srdreg.scid  }
0x2: {  	s0 =	stileid.u32;
	s4 =	rddreg [dreg:$0x1]  }
0x3: {  	s2 =	simm.s32 $0x0;
	s12 =	simm.s32 $0x4000;
	s13 =	simm.s32 $0x4400  }
0x4: {  	s14 =	simm.s32 $0x4800;
	s15 =	simm.s32 $0x4C00;
	s16 =	simm.s32 $0x0  }
0x5: {  	s5 =	sand.u32 $0x1, s1;
	s6 =	sshll.u32 s0, $0x1;
	[smem:$0x7FF] =	sst s2  }
0x6: {  	s1 =	rddreg [dreg:$0x2];
	s6 =	sor.u32 s5, s6;
	_ =	strace $0x80000047  }
0x7: {  	s5 =	ssub.s32 $0x2, s5;
	s7 =	sshll.u32 s6, $0xA;
	s9 =	sshll.u32 s6, $0x7  }
0x8: {  	s6 =	sshll.u32 s6, $0x4;
	s31 =	sshrl.u32 s5, $0x1;
	s8 =	sadd.s32 s7, s4  }
0x9: {  	s9 =	sadd.s32 s9, s4;
	s10 =	sadd.s32 s6, s4;
	s11 =	ssub.s32 s5, s31  }
0xa: {  	s3 =	sadd.s32 s3, s7;
	s4 =	sadd.s32 $0x5600, s8;
	s5 =	sadd.s32 $0x2600, s9  }
0xb: {  	s6 =	sadd.s32 $0x3600, s9;
	s7 =	sadd.s32 $0x4600, s9;
	s8 =	sadd.s32 $0xD600, s10  }
0xc: {  	v0 =	vimm.f32 $0.0e+00;
	v1 =	vimm.f32 $1.000000000e+00;
	s9 =	smax.u32 s11, $0x1;
	s10 =	simm.s32 $0x1;
	s11 =	simm.s32 $0x2000  }
.LBB2_1:
0xd: {  	[tilespmem:s2], [sflag:$0x1] =	stream.linear.gather [hbm4b:s3+s2], $0x2000, $0x38;
	[tilespmem:$0x4C80] =	vst v63  }
0xe: {  	_ =	swait.ge [sflag:s10], $0x2000  }
0xf: {  	s17 =	sand.u32 $0x1C00, s2;
	s18 =	sand.u32 $0x70, s2;
	[sflag:s10] =	ssyncset.done $0x0  }
0x10: {  	s17 =	sor.u32 s18, s17;
	[sflag:s10] =	ssyncadd.s32 $0xFFFFE000  }
0x11: {  	v2 =	vld [tilespmem:s17+$0x100]  }
0x12: {  	v3 =	vld [tilespmem:s17+$0x80]  }
0x13: {  	v4 =	vld [tilespmem:s17+$0x0];
	_ =	sdelay $0x3  }
0x14: {  	v5 =	vmax.f32 v3, v2  }
0x15: {  	v5 =	vmax.f32 v4, v5  }
0x16: {  	v6 =	vsub.f32 v4, v5  }
0x17: {  	v7 =	vsub.f32 v3, v5  }
0x18: {  	v6 =	vmul.f32 $1.442695020e+00, v6  }
0x19: {  	v5 =	vsub.f32 v2, v5;
	v7 =	vmul.f32 $1.442695020e+00, v7  }
0x1a: {  	(erf) = vpow2.f32 v6  }
0x1b: {  	v5 =	vmul.f32 $1.442695020e+00, v5;
	(erf) = vpow2.f32 v7;
	_ =	sdelay $0x1  }
0x1c: {  	(erf) = vpow2.f32 v5;
	_ =	sdelay $0x3  }
0x1d: {  	vm0 =	vle.f32 v2, v4;
	vm1 =	vle.f32 v2, v3  }
0x1e: {  	vm0 =	vmand vm0, vm1  }
0x1f: {  	vm2 =	vle.f32 v3, v4;
	vm1 =	vmneg vm0;
	v3 =	vpop (erf)  }
0x20: {  	vm1 =	vmand vm2, vm1;
	vm2 =	vmor vm2, vm0;
	v4 =	vpop (erf)  }
0x21: {  	v5 =	vnsel vm2, $0x0, v3;
	v2 =	vadd.f32 v4, v3;
	v6 =	vsel vm1, $0x0, v4  }
0x22: {  	v8 =	vpop (erf);
	v7 =	vadd.f32 v6, v5  }
0x23: {  	v9 =	vsel vm0, $0x0, v8;
	v2 =	vadd.f32 v2, v8  }
0x24: {  	v7 =	vadd.f32 v7, v9  }
0x25: {  	(erf) = vrcp.f32 v2  }
0x26: {  	(erf) = vrcp.f32 v7;
	_ =	sdelay $0x7  }
0x27: {  	v7 =	vpop (erf)  }
0x28: {  	v2 =	vpop (erf)  }
0x29: {  	v5 =	vmul.f32 v2, v5  }
0x2a: {  	v6 =	vmul.f32 v2, v6  }
0x2b: {  	v9 =	vmul.f32 v2, v9;
	[tilespmem:s17+$0x2000] =	vst v5  }
0x2c: {  	[tilespmem:s17+$0x2080] =	vst v6  }
0x2d: {  	[tilespmem:s17+$0x2100] =	vst v9  }
0x2e: {  	s31 =	simm.s32 $0x80;
	s19 =	sand.u32 $0x3F0, s2;
	s17 =	simm.s32 $0x10;
	[tilespmem:s12+$0x0] =	vst v5  }
0x2f: {  	s18 =	sand.u32 $0x1C00, s31;
	s20 =	sand.u32 $0x70, s17;
	[tilespmem:s19+$0x4800] =	vst v9  }
0x30: {  	v9 =	vsel vm1, $0x0, v1;
	s18 =	sor.u32 s20, s18;
	[tilespmem:s19+$0x4400] =	vst v6  }
0x31: {  	v10 =	vmul.f32 v7, v3;
	v3 =	vadd.f32 v9, v0;
	v9 =	vld [tilespmem:s18+$0x100]  }
0x32: {  	v11 =	vmul.f32 v7, v4;
	v12 =	vmul.f32 v7, v8;
	v8 =	vld [tilespmem:s18+$0x80]  }
0x33: {  	v2 =	vsel vm0, $0x0, v1;
	v6 =	vadd.f32 v10, v0;
	v10 =	vld [tilespmem:s18+$0x0]  }
0x34: {  	v2 =	vadd.f32 v2, v0;
	v7 =	vadd.f32 v11, v0;
	v5 =	vsel vm2, $0x3F800000, v0  }
0x35: {  	v4 =	vadd.f32 v5, v0;
	v5 =	vadd.f32 v12, v0;
	s20 =	simm.s32 $0x100;
	s19 =	simm.s32 $0x4000  }
.LBB2_2:
0x36: {  	p0 =	sne.s32 s20, $0x1F80  }
0x37: {  	v11 =	vmax.f32 v8, v9  }
0x38: {  	v11 =	vmax.f32 v10, v11  }
0x39: {  	v12 =	vsub.f32 v10, v11  }
0x3a: {  	v13 =	vsub.f32 v8, v11  }
0x3b: {  	v12 =	vmul.f32 $1.442695020e+00, v12  }
0x3c: {  	v11 =	vsub.f32 v9, v11;
	v13 =	vmul.f32 $1.442695020e+00, v13  }
0x3d: {  	(erf) = vpow2.f32 v12  }
0x3e: {  	v11 =	vmul.f32 $1.442695020e+00, v11;
	(erf) = vpow2.f32 v13;
	_ =	sdelay $0x1  }
0x3f: {  	(erf) = vpow2.f32 v11;
	_ =	sdelay $0x3  }
0x40: {  	vm1 =	vle.f32 v9, v8;
	vm0 =	vle.f32 v9, v10  }
0x41: {  	vm0 =	vmand vm0, vm1  }
0x42: {  	vm2 =	vle.f32 v8, v10;
	vm1 =	vmneg vm0;
	v10 =	vsel vm0, $0x0, v1;
	v9 =	vpop (erf)  }
0x43: {  	vm1 =	vmand vm2, vm1;
	vm2 =	vmor vm2, vm0;
	v2 =	vadd.f32 v10, v2;
	v8 =	vpop (erf)  }
0x44: {  	v11 =	vnsel vm2, $0x0, v9;
	v10 =	vadd.f32 v8, v9;
	v12 =	vsel vm1, $0x0, v8  }
0x45: {  	v14 =	vsel vm2, $0x3F800000, v0;
	v15 =	vsel vm1, $0x0, v1;
	v13 =	vadd.f32 v12, v11;
	v16 =	vpop (erf)  }
0x46: {  	v3 =	vadd.f32 v15, v3;
	v10 =	vadd.f32 v10, v16;
	v17 =	vsel vm0, $0x0, v16  }
0x47: {  	v4 =	vadd.f32 v14, v4;
	v13 =	vadd.f32 v13, v17  }
0x48: {  	(erf) = vrcp.f32 v10  }
0x49: {  	(erf) = vrcp.f32 v13;
	_ =	sdelay $0x7  }
0x4a: {  	v10 =	vpop (erf)  }
0x4b: {  	v9 =	vmul.f32 v10, v9;
	v8 =	vmul.f32 v10, v8;
	v13 =	vpop (erf)  }
0x4c: {  	v10 =	vmul.f32 v10, v16;
	v11 =	vmul.f32 v13, v11  }
0x4d: {  	v12 =	vmul.f32 v13, v12;
	v6 =	vadd.f32 v9, v6;
	v7 =	vadd.f32 v8, v7  }
0x4e: {  	v8 =	vmul.f32 v13, v17;
	v5 =	vadd.f32 v10, v5;
	[tilespmem:s18+$0x2000] =	vst v11  }
0x4f: {  	[tilespmem:s18+$0x2080] =	vst v12  }
0x50: {  	s19 =	sadd.s32 $0x10, s19;
	[tilespmem:s18+$0x2100] =	vst v8  }
0x51: {  	s21 =	sand.u32 $0x3F0, s17;
	s17 =	sadd.s32 $0x10, s17;
	[tilespmem:s19+$0x0] =	vst v11  }
0x52: {  	s22 =	sand.u32 $0x70, s17;
	s18 =	sand.u32 $0x1C00, s20;
	[tilespmem:s21+$0x4800] =	vst v8  }
0x53: {  	s18 =	sor.u32 s22, s18;
	[tilespmem:s21+$0x4400] =	vst v12  }
.Ltmp0:
0x54: {  	v9 =	vld [tilespmem:s18+$0x100];
	(pc) =	sbr.rel @p0 .LBB2_2-.Ltmp0, $3  }
0x55: {  	v8 =	vld [tilespmem:s18+$0x80]  }
0x56: {  	v10 =	vld [tilespmem:s18+$0x0];
	_ =	sdelay $0x1  }
0x57: {  	s20 =	sadd.s32 $0x80, s20  }
0x58: {  	_ = 	snop  }
0x59: {  	v11 =	vmax.f32 v8, v9  }
0x5a: {  	v11 =	vmax.f32 v10, v11  }
0x5b: {  	v12 =	vsub.f32 v10, v11  }
0x5c: {  	v13 =	vsub.f32 v8, v11  }
0x5d: {  	v12 =	vmul.f32 $1.442695020e+00, v12  }
0x5e: {  	v11 =	vsub.f32 v9, v11;
	v13 =	vmul.f32 $1.442695020e+00, v13  }
0x5f: {  	(erf) = vpow2.f32 v12  }
0x60: {  	v11 =	vmul.f32 $1.442695020e+00, v11;
	(erf) = vpow2.f32 v13;
	_ =	sdelay $0x1  }
0x61: {  	(erf) = vpow2.f32 v11;
	_ =	sdelay $0x3  }
0x62: {  	vm1 =	vle.f32 v9, v8;
	vm0 =	vle.f32 v9, v10  }
0x63: {  	vm0 =	vmand vm0, vm1  }
0x64: {  	vm2 =	vle.f32 v8, v10;
	vm1 =	vmneg vm0;
	v55 =	vpop (erf)  }
0x65: {  	vm1 =	vmand vm2, vm1;
	vm2 =	vmor vm2, vm0;
	v56 =	vpop (erf)  }
0x66: {  	v58 =	vnsel vm2, $0x0, v55;
	v57 =	vadd.f32 v56, v55;
	v59 =	vsel vm1, $0x0, v56  }
0x67: {  	v14 =	vpop (erf);
	v60 =	vadd.f32 v59, v58  }
0x68: {  	v15 =	vsel vm0, $0x0, v14;
	v10 =	vadd.f32 v57, v14  }
0x69: {  	v13 =	vadd.f32 v60, v15  }
0x6a: {  	(erf) = vrcp.f32 v10  }
0x6b: {  	(erf) = vrcp.f32 v13;
	_ =	sdelay $0x7  }
0x6c: {  	v10 =	vpop (erf)  }
0x6d: {  	v13 =	vpop (erf)  }
0x6e: {  	v11 =	vmul.f32 v13, v58  }
0x6f: {  	v12 =	vmul.f32 v13, v59  }
0x70: {  	v13 =	vmul.f32 v13, v15;
	[tilespmem:s18+$0x2000] =	vst v11  }
0x71: {  	[tilespmem:s18+$0x2080] =	vst v12  }
0x72: {  	s31 =	sadd.s32 $0x10, s19;
	v8 =	vmul.f32 v10, v55;
	[tilespmem:s18+$0x2100] =	vst v13  }
0x73: {  	s17 =	sand.u32 $0x3F0, s17;
	v9 =	vmul.f32 v10, v56;
	[tilespmem:s31+$0x0] =	vst v11  }
0x74: {  	v10 =	vmul.f32 v10, v14;
	v6 =	vadd.f32 v8, v6;
	[tilespmem:s17+$0x4800] =	vst v13  }
0x75: {  	v7 =	vadd.f32 v9, v7;
	[tilespmem:s17+$0x4400] =	vst v12  }
0x76: {  	v61 =	vsel vm2, $0x3F800000, v0;
	v5 =	vadd.f32 v10, v5;
	[tilespmem:$0x4C00] =	vst v6  }
0x77: {  	v62 =	vsel vm1, $0x0, v1;
	v4 =	vadd.f32 v61, v4;
	[tilespmem:$0x4C10] =	vst v7  }
0x78: {  	v63 =	vsel vm0, $0x0, v1;
	v3 =	vadd.f32 v62, v3;
	[tilespmem:$0x4C20] =	vst v5  }
0x79: {  	v2 =	vadd.f32 v63, v2;
	[tilespmem:$0x4C30] =	vst v4  }
0x7a: {  	[tilespmem:$0x4C40] =	vst v3  }
0x7b: {  	[tilespmem:$0x4C50] =	vst v2  }
0x7c: {  	[hbm4b:s4+s2] =	stream.linear.scatter [tilespmem:s11], [sflag:$0x1], $0x2000, $0x38;
	[tilespmem:$0x4C80] =	vst v63  }
0x7d: {  	_ =	swait.ge [sflag:s10], $0x2000  }
0x7e: {  	[sflag:s10] =	ssyncset.done $0x0  }
0x7f: {  	[sflag:s10] =	ssyncadd.s32 $0xFFFFE000  }
0x80: {  	[hbm4b:s5+s2] =	stream.linear.scatter [tilespmem:s12], [sflag:$0x1], $0x400, $0x38;
	[tilespmem:$0x4C80] =	vst v63  }
0x81: {  	_ =	swait.ge [sflag:s10], $0x400  }
0x82: {  	[sflag:s10] =	ssyncset.done $0x0  }
0x83: {  	[sflag:s10] =	ssyncadd.s32 $0xFFFFFC00  }
0x84: {  	[hbm4b:s6+s2] =	stream.linear.scatter [tilespmem:s13], [sflag:$0x1], $0x400, $0x38;
	[tilespmem:$0x4C80] =	vst v63  }
0x85: {  	_ =	swait.ge [sflag:s10], $0x400  }
0x86: {  	[sflag:s10] =	ssyncset.done $0x0  }
0x87: {  	[sflag:s10] =	ssyncadd.s32 $0xFFFFFC00  }
0x88: {  	[hbm4b:s7+s2] =	stream.linear.scatter [tilespmem:s14], [sflag:$0x1], $0x400, $0x38;
	[tilespmem:$0x4C80] =	vst v63  }
0x89: {  	s16 =	sadd.s32 $0x1, s16;
	_ =	swait.ge [sflag:s10], $0x400  }
0x8a: {  	p0 =	sne.s32 s16, s9;
	[sflag:s10] =	ssyncset.done $0x0  }
.Ltmp1:
0x8b: {  	[sflag:s10] =	ssyncadd.s32 $0xFFFFFC00;
	(pc) =	sbr.rel @p0 .LBB2_1-.Ltmp1, $4  }
0x8c: {  	[hbm4b:s8+s2] =	stream.linear.scatter [tilespmem:s15], [sflag:$0x1], $0x80, $0x38;
	[tilespmem:$0x4C80] =	vst v63  }
0x8d: {  	_ =	swait.ge [sflag:s10], $0x80  }
0x8e: {  	[sflag:s10] =	ssyncset.done $0x0  }
0x8f: {  	[sflag:s10] =	ssyncadd.s32 $0xFFFFFF80  }
0x90: {  	_ =	sfence.sel $0x180000  }
0x91: {  	[bflag:$0x0] =	sbarrier.arrive $0xFFFF  }
0x92: {  	p0 =	sne.s32 s0, $0x0;
	_ =	strace $0x90000047  }
0x93: {  	s0 =	sadd.s32 @!p0 $0x100000, s1;
	[bflag:$0x2] =	sbarrier.arrive $0xFFFF  }
0x94: {  	[sflag:s0] =	ssyncadd.tile.s32 @!p0 $0x1;
	_ =	shalt  }
.Lfunc_end2:
_tile_overlayer_lowered:
.L_overlay_start_2:
0x95: {  	(tag) =	ssettag $0x2  }
0x96: {  	s0 =	rddreg [dreg:$0x0];
	s2 =	stileid.u32  }
0x97: {  	s1 =	rddreg [dreg:$0x1];
	p0 =	sne.s32 s2, $0x0  }
0x98: {  	s3 =	rddreg [dreg:$0x2];
	[bflag:$0x3] =	sbarrier.arrive $0xFFFF;
	s2 =	simm.s32 @!p0 $0x1C01  }
0x99: {  	[timem:s3], [sflag:s2] =	dma.local @!p0 [hbm:s0], s1  }
0x9a: {  	s0 =	simm.s32 @!p0 $0x1  }
0x9b: {  	_ =	swait.ge @!p0 [sflag:s0], s1  }
0x9c: {  	s1 =	ssub.s32 @!p0 $0x0, s1;
	[sflag:s0] =	ssyncset.done @!p0 $0x0  }
0x9d: {  	[sflag:s0] =	ssyncadd.s32 @!p0 s1  }
0x9e: {  	[bflag:$0x3] =	sbarrier.arrive $0xFFFF  }
0x9f: {  	_ =	shalt  }

</sc_bundles>
